<compile_context>
chip_gen: v7x
topology: tpu7x:2x2x1
jax: 0.10.2.dev20260603
libtpu: 0.0.44.dev20260713+nightly
codegen_flags: <defaults>
</compile_context>

<pallas_src>
import functools

import jax
import jax.numpy as jnp
from jax import lax
from jax.experimental import pallas as pl
from jax.experimental.pallas import tpu as pltpu
from jax.experimental.pallas import tpu_sc as plsc

N_NODES = 10000
N_EDGES = 320000
D = 128

NC = 2
NS = 16
NW = NC * NS
C = 128
E_W = N_EDGES // NW
NCH = 80
SLOTS = NCH * C
NB = 2
SLAB = 640
N_PAD = NS * SLAB


def _sc_agg_body(feat, src_r, dst_r, zrows, ones_h, agg_out, deg_out,
                 didx_all, sidx0, sidx1,
                 rows0, rows1,
                 gsem0, gsem1,
                 ssem0, ssem1,
                 isem0, isem1, agg_sh):
    sidx = [sidx0, sidx1]
    rows = [rows0, rows1]
    gsem = [gsem0, gsem1]
    ssem = [ssem0, ssem1]
    isem = [isem0, isem1]
    cid = lax.axis_index("c")
    sid = lax.axis_index("s")
    wid = cid * NS + sid
    with_deg = deg_out is not None

    pltpu.sync_copy(zrows, rows0)
    for z in range(SLAB // C):
        pltpu.sync_copy(rows0, agg_sh.at[pl.ds(sid * SLAB + z * C, C)])
    pltpu.sync_copy(dst_r.at[wid], didx_all)
    plsc.subcore_barrier()

    if with_deg:
        pltpu.sync_copy(ones_h, rows1)

        def fire(c, carry):
            pltpu.async_copy(rows1, agg_sh.at[didx_all.at[c]], ssem1,
                             add=True)
            return carry

        lax.fori_loop(0, NCH, fire, 0)

        def drain(c, carry):
            pltpu.make_async_copy(rows1, agg_sh.at[didx_all.at[c]],
                                  ssem1).wait()
            return carry

        lax.fori_loop(0, NCH, drain, 0)

        plsc.subcore_barrier()
        pltpu.sync_copy(agg_sh.at[pl.ds(sid * SLAB, SLAB)],
                        deg_out.at[cid, pl.ds(sid * SLAB, SLAB)])

        for z in range(SLAB // C):
            pltpu.sync_copy(rows0, agg_sh.at[pl.ds(sid * SLAB + z * C, C)])
        plsc.subcore_barrier()

    for b in range(NB):
        pltpu.sync_copy(src_r.at[wid, b], sidx[b])
        pltpu.async_copy(feat.at[sidx[b]], rows[b], gsem[b])

    def outer(g, carry):
        for b in range(NB):
            c = g * NB + b
            pltpu.make_async_copy(feat.at[sidx[b]], rows[b], gsem[b]).wait()
            pltpu.async_copy(rows[b], agg_sh.at[didx_all.at[c]], ssem[b],
                             add=True)

            @pl.when(c + NB < NCH)
            def _():
                pltpu.async_copy(src_r.at[wid, c + NB], sidx[b], isem[b])

            pltpu.make_async_copy(rows[b], agg_sh.at[didx_all.at[c]],
                                  ssem[b]).wait()

            @pl.when(c + NB < NCH)
            def _():
                pltpu.make_async_copy(src_r.at[wid, c + NB], sidx[b],
                                      isem[b]).wait()
                pltpu.async_copy(feat.at[sidx[b]], rows[b], gsem[b])

        return carry

    lax.fori_loop(0, NCH // NB, outer, 0)

    plsc.subcore_barrier()
    pltpu.sync_copy(agg_sh.at[pl.ds(sid * SLAB, SLAB)],
                    agg_out.at[cid, pl.ds(sid * SLAB, SLAB)])


def _agg_only_body(feat, src_r, dst_r, zrows, agg_out, *rest):
    return _sc_agg_body(feat, src_r, dst_r, zrows, None, agg_out, None, *rest)


def _make_sc_agg(with_deg):
    mesh = plsc.VectorSubcoreMesh(core_axis_name="c", subcore_axis_name="s")
    part = jax.ShapeDtypeStruct((NC, N_PAD, D), jnp.float32)
    return pl.kernel(
        _sc_agg_body if with_deg else _agg_only_body,
        out_type=(part, part) if with_deg else part,
        mesh=mesh,
        scratch_types=(
            [pltpu.VMEM((NCH, C), jnp.int32)]
            + [pltpu.VMEM((C,), jnp.int32)] * NB
            + [pltpu.VMEM((C, D), jnp.float32)] * NB
            + [pltpu.SemaphoreType.DMA] * (3 * NB)
            + [pltpu.VMEM_SHARED((N_PAD, D), jnp.float32)]
        ),
    )


def _tc_dense_body(relu, agg_ref, deg_ref, x_ref, wl_ref, b_ref, wr_ref, o_ref):
    agg = agg_ref[0] + agg_ref[1]
    deg = deg_ref[0, :, 0:1] + deg_ref[1, :, 0:1]
    mean = agg * (1.0 / jnp.maximum(deg, 1.0))
    h = (jnp.dot(mean, wl_ref[...], preferred_element_type=jnp.float32)
         + b_ref[...]
         + jnp.dot(x_ref[...], wr_ref[...], preferred_element_type=jnp.float32))
    o_ref[...] = jnp.maximum(h, 0.0) if relu else h


def _make_tc_dense(relu, br=512):
    grid = (N_PAD // br,)
    return pl.pallas_call(
        functools.partial(_tc_dense_body, relu),
        grid=grid,
        in_specs=[
            pl.BlockSpec((NC, br, D), lambda i: (0, i, 0)),
            pl.BlockSpec((NC, br, D), lambda i: (0, i, 0)),
            pl.BlockSpec((br, D), lambda i: (i, 0)),
            pl.BlockSpec((D, D), lambda i: (0, 0)),
            pl.BlockSpec((1, D), lambda i: (0, 0)),
            pl.BlockSpec((D, D), lambda i: (0, 0)),
        ],
        out_specs=pl.BlockSpec((br, D), lambda i: (i, 0)),
        out_shape=jax.ShapeDtypeStruct((N_PAD, D), jnp.float32),
    )


def kernel(x, edge_index, W1l, b1l, W1r, W2l, b2l, W2r):
    src = edge_index[0].astype(jnp.int32)
    dst = edge_index[1].astype(jnp.int32)

    flatp = jnp.arange(NW * (SLOTS - E_W), dtype=jnp.int32)
    pad_src = (flatp % N_NODES).reshape(NW, SLOTS - E_W)
    pad_dst = (N_NODES + flatp % (N_PAD - N_NODES)).reshape(NW, SLOTS - E_W)
    src_r = jnp.concatenate(
        [src.reshape(NW, E_W), pad_src], axis=1).reshape(NW, NCH, C)
    dst_r = jnp.concatenate(
        [dst.reshape(NW, E_W), pad_dst], axis=1).reshape(NW, NCH, C)
    x_p = jnp.pad(x, ((0, N_PAD - N_NODES), (0, 0)))

    zrows = jnp.zeros((C, D), jnp.float32)
    ones_h = jnp.ones((C, D), jnp.float32)

    sc_agg_deg = _make_sc_agg(True)
    sc_agg = _make_sc_agg(False)
    tc1 = _make_tc_dense(True)
    tc2 = _make_tc_dense(False)

    agg1, deg_p = sc_agg_deg(x_p, src_r, dst_r, zrows, ones_h)
    h = tc1(agg1, deg_p, x_p, W1l.T, b1l.reshape(1, D), W1r.T)
    agg2 = sc_agg(h, src_r, dst_r, zrows)
    out = tc2(agg2, deg_p, h, W2l.T, b2l.reshape(1, D), W2r.T)
    return out[:N_NODES]

# --- scband reference (transcript-rebuilt; emitter-appended) ---
"""Pipeline reference for scband-graph-sage-14053132992904 (READ-ONLY COPY).

The authoritative reference and input builder live on the scoring server;
editing this copy changes nothing except your own understanding.
"""

import jax, jax.numpy as jnp
import numpy as np

N_NODES = 10000
N_EDGES = 320000
D_IN = 128
D_HID = 128
D_OUT = 128


def setup_inputs(seed: int = 0) -> dict:
    key = jax.random.key(seed)
    ks = jax.random.split(key, 9)
    x = jax.random.normal(ks[0], (N_NODES, D_IN), dtype=jnp.float32)
    edge_index = jax.random.randint(ks[1], (2, N_EDGES), 0, N_NODES, dtype=jnp.int64 if jax.config.jax_enable_x64 else jnp.int32)
    s1 = 1.0 / np.sqrt(D_IN)
    s2 = 1.0 / np.sqrt(D_HID)
    W1l = jax.random.uniform(ks[2], (D_HID, D_IN), jnp.float32, -s1, s1)
    b1l = jax.random.uniform(ks[3], (D_HID,), jnp.float32, -s1, s1)
    W1r = jax.random.uniform(ks[4], (D_HID, D_IN), jnp.float32, -s1, s1)
    W2l = jax.random.uniform(ks[5], (D_OUT, D_HID), jnp.float32, -s2, s2)
    b2l = jax.random.uniform(ks[6], (D_OUT,), jnp.float32, -s2, s2)
    W2r = jax.random.uniform(ks[7], (D_OUT, D_HID), jnp.float32, -s2, s2)
    return {"x": x, "edge_index": edge_index, "W1l": W1l, "b1l": b1l, "W1r": W1r, "W2l": W2l, "b2l": b2l, "W2r": W2r}


def _sage_conv(x, edge_index, Wl, bl, Wr):
    # PyG SAGEConv (aggr='mean'): out = lin_l(mean_j x_j) + lin_r(x_i)
    src = edge_index[0]
    dst = edge_index[1]
    msgs = jnp.take(x, src, axis=0)                          # gather (SparseCore)
    agg = jax.ops.segment_sum(msgs, dst, num_segments=N_NODES)  # scatter-add
    deg = jax.ops.segment_sum(jnp.ones((src.shape[0],), dtype=x.dtype), dst, num_segments=N_NODES)
    mean = agg / jnp.clip(deg, 1.0, None)[:, None]
    return mean @ Wl.T + bl + x @ Wr.T


def reference(x, edge_index, W1l, b1l, W1r, W2l, b2l, W2r):
    h = _sage_conv(x, edge_index, W1l, b1l, W1r)
    h = jax.nn.relu(h)
    out = _sage_conv(h, edge_index, W2l, b2l, W2r)
    return out

if __name__ == "__main__":
    import jax
    _d = setup_inputs()
    print(jax.jit(kernel)(*tuple(_d.values())))

</pallas_src>

<mosaic_0001>
#map = affine_map<(d0, d1) -> (0, 0)>
#map1 = affine_map<(d0, d1) -> (0, 0, 0)>
module attributes {stable_mosaic.version = 14 : i64} {
  func.func @_sc_agg_body(%arg0: i32, %arg1: i32, %arg2: memref<10240x128xf32, #tpu.memory_space<hbm>>, %arg3: memref<32x80x128xi32, #tpu.memory_space<hbm>>, %arg4: memref<32x80x128xi32, #tpu.memory_space<hbm>>, %arg5: memref<128x128xf32, #tpu.memory_space<hbm>>, %arg6: memref<128x128xf32, #tpu.memory_space<hbm>>, %arg7: memref<2x10240x128xf32, #tpu.memory_space<hbm>>, %arg8: memref<2x10240x128xf32, #tpu.memory_space<hbm>>, %arg9: memref<80x128xi32, #tpu.memory_space<vmem>>, %arg10: memref<128xi32, #tpu.memory_space<vmem>>, %arg11: memref<128xi32, #tpu.memory_space<vmem>>, %arg12: memref<128x128xf32, #tpu.memory_space<vmem>>, %arg13: memref<128x128xf32, #tpu.memory_space<vmem>>, %arg14: memref<!tpu.dma_semaphore, #tpu.memory_space<semaphore_mem>>, %arg15: memref<!tpu.dma_semaphore, #tpu.memory_space<semaphore_mem>>, %arg16: memref<!tpu.dma_semaphore, #tpu.memory_space<semaphore_mem>>, %arg17: memref<!tpu.dma_semaphore, #tpu.memory_space<semaphore_mem>>, %arg18: memref<!tpu.dma_semaphore, #tpu.memory_space<semaphore_mem>>, %arg19: memref<!tpu.dma_semaphore, #tpu.memory_space<semaphore_mem>>, %arg20: memref<10240x128xf32, #tpu.memory_space<vmem_shared>>) attributes {dimension_semantics = [#tpu.dimension_semantics<core_parallel>, #tpu.dimension_semantics<subcore_parallel>], iteration_bounds = array<i64: 2, 16>, scalar_prefetch = 0 : i64, scratch_operands = 12 : i64, tpu.core_type = #tpu.core_type<sc_vector_subcore>, window_params = [{transform_indices = #map}, {transform_indices = #map1}, {transform_indices = #map1}, {transform_indices = #map}, {transform_indices = #map}, {transform_indices = #map1}, {transform_indices = #map1}]} {
    %mul3A = arith.constant 16 : i32
    %mul3A_0 = arith.muli %arg0, %mul3A : i32
    %add3A = arith.addi %mul3A_0, %arg1 : i32
    "tpu.region"() ({
      %run_scoped3A_75 = tpu.sem_alloc : memref<!tpu.dma_semaphore, #tpu.memory_space<semaphore_mem>>
      tpu.enqueue_dma source(%arg5 : memref<128x128xf32, #tpu.memory_space<hbm>>) target(%arg12 : memref<128x128xf32, #tpu.memory_space<vmem>>) target_semaphore(%run_scoped3A_75 : memref<!tpu.dma_semaphore, #tpu.memory_space<semaphore_mem>>)
      tpu.wait_dma2 semaphore(%run_scoped3A_75 : memref<!tpu.dma_semaphore, #tpu.memory_space<semaphore_mem>>) src(%arg5 : memref<128x128xf32, #tpu.memory_space<hbm>>) dst(%arg12 : memref<128x128xf32, #tpu.memory_space<vmem>>)
      tpu.yield
    }) : () -> ()
    %mul3A_1 = arith.constant 640 : i32
    %mul3A_2 = arith.muli %arg1, %mul3A_1 : i32
    %add3A_3 = arith.constant 0 : i32
    %add3A_4 = arith.addi %mul3A_2, %add3A_3 : i32
    "tpu.region"() ({
      %run_scoped3A_75 = tpu.sem_alloc : memref<!tpu.dma_semaphore, #tpu.memory_space<semaphore_mem>>
      %dma_start3A_76 = arith.constant 0 : i32
      %dma_start3A_77 = tpu.memref_slice %arg20[%add3A_4, %dma_start3A_76] : memref<10240x128xf32, #tpu.memory_space<vmem_shared>> -> memref<128x128xf32, #tpu.memory_space<vmem_shared>>
      %dma_start3A_78 = arith.constant 0 : i32
      %dma_start3A_79 = tpu.memref_slice %arg20[%add3A_4, %dma_start3A_78] : memref<10240x128xf32, #tpu.memory_space<vmem_shared>> -> memref<128x128xf32, #tpu.memory_space<vmem_shared>>
      tpu.enqueue_dma source(%arg12 : memref<128x128xf32, #tpu.memory_space<vmem>>) target(%dma_start3A_79 : memref<128x128xf32, #tpu.memory_space<vmem_shared>>) target_semaphore(%run_scoped3A_75 : memref<!tpu.dma_semaphore, #tpu.memory_space<semaphore_mem>>)
      %dma_wait3A = arith.constant 0 : i32
      %dma_wait3A_80 = tpu.memref_slice %arg20[%add3A_4, %dma_wait3A] : memref<10240x128xf32, #tpu.memory_space<vmem_shared>> -> memref<128x128xf32, #tpu.memory_space<vmem_shared>>
      %dma_wait3A_81 = arith.constant 0 : i32
      %dma_wait3A_82 = tpu.memref_slice %arg20[%add3A_4, %dma_wait3A_81] : memref<10240x128xf32, #tpu.memory_space<vmem_shared>> -> memref<128x128xf32, #tpu.memory_space<vmem_shared>>
      tpu.wait_dma2 semaphore(%run_scoped3A_75 : memref<!tpu.dma_semaphore, #tpu.memory_space<semaphore_mem>>) src(%arg12 : memref<128x128xf32, #tpu.memory_space<vmem>>) dst(%dma_wait3A_82 : memref<128x128xf32, #tpu.memory_space<vmem_shared>>)
      tpu.yield
    }) : () -> ()
    %mul3A_5 = arith.constant 640 : i32
    %mul3A_6 = arith.muli %arg1, %mul3A_5 : i32
    %add3A_7 = arith.constant 128 : i32
    %add3A_8 = arith.addi %mul3A_6, %add3A_7 : i32
    "tpu.region"() ({
      %run_scoped3A_75 = tpu.sem_alloc : memref<!tpu.dma_semaphore, #tpu.memory_space<semaphore_mem>>
      %dma_start3A_76 = arith.constant 0 : i32
      %dma_start3A_77 = tpu.memref_slice %arg20[%add3A_8, %dma_start3A_76] : memref<10240x128xf32, #tpu.memory_space<vmem_shared>> -> memref<128x128xf32, #tpu.memory_space<vmem_shared>>
      %dma_start3A_78 = arith.constant 0 : i32
      %dma_start3A_79 = tpu.memref_slice %arg20[%add3A_8, %dma_start3A_78] : memref<10240x128xf32, #tpu.memory_space<vmem_shared>> -> memref<128x128xf32, #tpu.memory_space<vmem_shared>>
      tpu.enqueue_dma source(%arg12 : memref<128x128xf32, #tpu.memory_space<vmem>>) target(%dma_start3A_79 : memref<128x128xf32, #tpu.memory_space<vmem_shared>>) target_semaphore(%run_scoped3A_75 : memref<!tpu.dma_semaphore, #tpu.memory_space<semaphore_mem>>)
      %dma_wait3A = arith.constant 0 : i32
      %dma_wait3A_80 = tpu.memref_slice %arg20[%add3A_8, %dma_wait3A] : memref<10240x128xf32, #tpu.memory_space<vmem_shared>> -> memref<128x128xf32, #tpu.memory_space<vmem_shared>>
      %dma_wait3A_81 = arith.constant 0 : i32
      %dma_wait3A_82 = tpu.memref_slice %arg20[%add3A_8, %dma_wait3A_81] : memref<10240x128xf32, #tpu.memory_space<vmem_shared>> -> memref<128x128xf32, #tpu.memory_space<vmem_shared>>
      tpu.wait_dma2 semaphore(%run_scoped3A_75 : memref<!tpu.dma_semaphore, #tpu.memory_space<semaphore_mem>>) src(%arg12 : memref<128x128xf32, #tpu.memory_space<vmem>>) dst(%dma_wait3A_82 : memref<128x128xf32, #tpu.memory_space<vmem_shared>>)
      tpu.yield
    }) : () -> ()
    %mul3A_9 = arith.constant 640 : i32
    %mul3A_10 = arith.muli %arg1, %mul3A_9 : i32
    %add3A_11 = arith.constant 256 : i32
    %add3A_12 = arith.addi %mul3A_10, %add3A_11 : i32
    "tpu.region"() ({
      %run_scoped3A_75 = tpu.sem_alloc : memref<!tpu.dma_semaphore, #tpu.memory_space<semaphore_mem>>
      %dma_start3A_76 = arith.constant 0 : i32
      %dma_start3A_77 = tpu.memref_slice %arg20[%add3A_12, %dma_start3A_76] : memref<10240x128xf32, #tpu.memory_space<vmem_shared>> -> memref<128x128xf32, #tpu.memory_space<vmem_shared>>
      %dma_start3A_78 = arith.constant 0 : i32
      %dma_start3A_79 = tpu.memref_slice %arg20[%add3A_12, %dma_start3A_78] : memref<10240x128xf32, #tpu.memory_space<vmem_shared>> -> memref<128x128xf32, #tpu.memory_space<vmem_shared>>
      tpu.enqueue_dma source(%arg12 : memref<128x128xf32, #tpu.memory_space<vmem>>) target(%dma_start3A_79 : memref<128x128xf32, #tpu.memory_space<vmem_shared>>) target_semaphore(%run_scoped3A_75 : memref<!tpu.dma_semaphore, #tpu.memory_space<semaphore_mem>>)
      %dma_wait3A = arith.constant 0 : i32
      %dma_wait3A_80 = tpu.memref_slice %arg20[%add3A_12, %dma_wait3A] : memref<10240x128xf32, #tpu.memory_space<vmem_shared>> -> memref<128x128xf32, #tpu.memory_space<vmem_shared>>
      %dma_wait3A_81 = arith.constant 0 : i32
      %dma_wait3A_82 = tpu.memref_slice %arg20[%add3A_12, %dma_wait3A_81] : memref<10240x128xf32, #tpu.memory_space<vmem_shared>> -> memref<128x128xf32, #tpu.memory_space<vmem_shared>>
      tpu.wait_dma2 semaphore(%run_scoped3A_75 : memref<!tpu.dma_semaphore, #tpu.memory_space<semaphore_mem>>) src(%arg12 : memref<128x128xf32, #tpu.memory_space<vmem>>) dst(%dma_wait3A_82 : memref<128x128xf32, #tpu.memory_space<vmem_shared>>)
      tpu.yield
    }) : () -> ()
    %mul3A_13 = arith.constant 640 : i32
    %mul3A_14 = arith.muli %arg1, %mul3A_13 : i32
    %add3A_15 = arith.constant 384 : i32
    %add3A_16 = arith.addi %mul3A_14, %add3A_15 : i32
    "tpu.region"() ({
      %run_scoped3A_75 = tpu.sem_alloc : memref<!tpu.dma_semaphore, #tpu.memory_space<semaphore_mem>>
      %dma_start3A_76 = arith.constant 0 : i32
      %dma_start3A_77 = tpu.memref_slice %arg20[%add3A_16, %dma_start3A_76] : memref<10240x128xf32, #tpu.memory_space<vmem_shared>> -> memref<128x128xf32, #tpu.memory_space<vmem_shared>>
      %dma_start3A_78 = arith.constant 0 : i32
      %dma_start3A_79 = tpu.memref_slice %arg20[%add3A_16, %dma_start3A_78] : memref<10240x128xf32, #tpu.memory_space<vmem_shared>> -> memref<128x128xf32, #tpu.memory_space<vmem_shared>>
      tpu.enqueue_dma source(%arg12 : memref<128x128xf32, #tpu.memory_space<vmem>>) target(%dma_start3A_79 : memref<128x128xf32, #tpu.memory_space<vmem_shared>>) target_semaphore(%run_scoped3A_75 : memref<!tpu.dma_semaphore, #tpu.memory_space<semaphore_mem>>)
      %dma_wait3A = arith.constant 0 : i32
      %dma_wait3A_80 = tpu.memref_slice %arg20[%add3A_16, %dma_wait3A] : memref<10240x128xf32, #tpu.memory_space<vmem_shared>> -> memref<128x128xf32, #tpu.memory_space<vmem_shared>>
      %dma_wait3A_81 = arith.constant 0 : i32
      %dma_wait3A_82 = tpu.memref_slice %arg20[%add3A_16, %dma_wait3A_81] : memref<10240x128xf32, #tpu.memory_space<vmem_shared>> -> memref<128x128xf32, #tpu.memory_space<vmem_shared>>
      tpu.wait_dma2 semaphore(%run_scoped3A_75 : memref<!tpu.dma_semaphore, #tpu.memory_space<semaphore_mem>>) src(%arg12 : memref<128x128xf32, #tpu.memory_space<vmem>>) dst(%dma_wait3A_82 : memref<128x128xf32, #tpu.memory_space<vmem_shared>>)
      tpu.yield
    }) : () -> ()
    %mul3A_17 = arith.constant 640 : i32
    %mul3A_18 = arith.muli %arg1, %mul3A_17 : i32
    %add3A_19 = arith.constant 512 : i32
    %add3A_20 = arith.addi %mul3A_18, %add3A_19 : i32
    "tpu.region"() ({
      %run_scoped3A_75 = tpu.sem_alloc : memref<!tpu.dma_semaphore, #tpu.memory_space<semaphore_mem>>
      %dma_start3A_76 = arith.constant 0 : i32
      %dma_start3A_77 = tpu.memref_slice %arg20[%add3A_20, %dma_start3A_76] : memref<10240x128xf32, #tpu.memory_space<vmem_shared>> -> memref<128x128xf32, #tpu.memory_space<vmem_shared>>
      %dma_start3A_78 = arith.constant 0 : i32
      %dma_start3A_79 = tpu.memref_slice %arg20[%add3A_20, %dma_start3A_78] : memref<10240x128xf32, #tpu.memory_space<vmem_shared>> -> memref<128x128xf32, #tpu.memory_space<vmem_shared>>
      tpu.enqueue_dma source(%arg12 : memref<128x128xf32, #tpu.memory_space<vmem>>) target(%dma_start3A_79 : memref<128x128xf32, #tpu.memory_space<vmem_shared>>) target_semaphore(%run_scoped3A_75 : memref<!tpu.dma_semaphore, #tpu.memory_space<semaphore_mem>>)
      %dma_wait3A = arith.constant 0 : i32
      %dma_wait3A_80 = tpu.memref_slice %arg20[%add3A_20, %dma_wait3A] : memref<10240x128xf32, #tpu.memory_space<vmem_shared>> -> memref<128x128xf32, #tpu.memory_space<vmem_shared>>
      %dma_wait3A_81 = arith.constant 0 : i32
      %dma_wait3A_82 = tpu.memref_slice %arg20[%add3A_20, %dma_wait3A_81] : memref<10240x128xf32, #tpu.memory_space<vmem_shared>> -> memref<128x128xf32, #tpu.memory_space<vmem_shared>>
      tpu.wait_dma2 semaphore(%run_scoped3A_75 : memref<!tpu.dma_semaphore, #tpu.memory_space<semaphore_mem>>) src(%arg12 : memref<128x128xf32, #tpu.memory_space<vmem>>) dst(%dma_wait3A_82 : memref<128x128xf32, #tpu.memory_space<vmem_shared>>)
      tpu.yield
    }) : () -> ()
    "tpu.region"() ({
      %run_scoped3A_75 = tpu.sem_alloc : memref<!tpu.dma_semaphore, #tpu.memory_space<semaphore_mem>>
      %dma_start3A_76 = arith.constant 0 : i32
      %dma_start3A_77 = arith.constant 0 : i32
      %dma_start3A_78 = tpu.memref_slice %arg4[%add3A, %dma_start3A_76, %dma_start3A_77] : memref<32x80x128xi32, #tpu.memory_space<hbm>> -> memref<1x80x128xi32, #tpu.memory_space<hbm>>
      %dma_start3A_79 = tpu.memref_squeeze %dma_start3A_78 : memref<1x80x128xi32, #tpu.memory_space<hbm>> -> memref<80x128xi32, #tpu.memory_space<hbm>>
      %dma_start3A_80 = arith.constant 0 : i32
      %dma_start3A_81 = arith.constant 0 : i32
      %dma_start3A_82 = tpu.memref_slice %arg4[%add3A, %dma_start3A_80, %dma_start3A_81] : memref<32x80x128xi32, #tpu.memory_space<hbm>> -> memref<1x80x128xi32, #tpu.memory_space<hbm>>
      %dma_start3A_83 = tpu.memref_squeeze %dma_start3A_82 : memref<1x80x128xi32, #tpu.memory_space<hbm>> -> memref<80x128xi32, #tpu.memory_space<hbm>>
      tpu.enqueue_dma source(%dma_start3A_83 : memref<80x128xi32, #tpu.memory_space<hbm>>) target(%arg9 : memref<80x128xi32, #tpu.memory_space<vmem>>) target_semaphore(%run_scoped3A_75 : memref<!tpu.dma_semaphore, #tpu.memory_space<semaphore_mem>>)
      %dma_wait3A = arith.constant 0 : i32
      %dma_wait3A_84 = arith.constant 0 : i32
      %dma_wait3A_85 = tpu.memref_slice %arg4[%add3A, %dma_wait3A, %dma_wait3A_84] : memref<32x80x128xi32, #tpu.memory_space<hbm>> -> memref<1x80x128xi32, #tpu.memory_space<hbm>>
      %dma_wait3A_86 = tpu.memref_squeeze %dma_wait3A_85 : memref<1x80x128xi32, #tpu.memory_space<hbm>> -> memref<80x128xi32, #tpu.memory_space<hbm>>
      %dma_wait3A_87 = arith.constant 0 : i32
      %dma_wait3A_88 = arith.constant 0 : i32
      %dma_wait3A_89 = tpu.memref_slice %arg4[%add3A, %dma_wait3A_87, %dma_wait3A_88] : memref<32x80x128xi32, #tpu.memory_space<hbm>> -> memref<1x80x128xi32, #tpu.memory_space<hbm>>
      %dma_wait3A_90 = tpu.memref_squeeze %dma_wait3A_89 : memref<1x80x128xi32, #tpu.memory_space<hbm>> -> memref<80x128xi32, #tpu.memory_space<hbm>>
      tpu.wait_dma2 semaphore(%run_scoped3A_75 : memref<!tpu.dma_semaphore, #tpu.memory_space<semaphore_mem>>) src(%dma_wait3A_90 : memref<80x128xi32, #tpu.memory_space<hbm>>) dst(%arg9 : memref<80x128xi32, #tpu.memory_space<vmem>>)
      tpu.yield
    }) : () -> ()
    %barrier3A = arith.constant 0 : index
    tpu.barrier barrier_id(%barrier3A)
    "tpu.region"() ({
      %run_scoped3A_75 = tpu.sem_alloc : memref<!tpu.dma_semaphore, #tpu.memory_space<semaphore_mem>>
      tpu.enqueue_dma source(%arg6 : memref<128x128xf32, #tpu.memory_space<hbm>>) target(%arg13 : memref<128x128xf32, #tpu.memory_space<vmem>>) target_semaphore(%run_scoped3A_75 : memref<!tpu.dma_semaphore, #tpu.memory_space<semaphore_mem>>)
      tpu.wait_dma2 semaphore(%run_scoped3A_75 : memref<!tpu.dma_semaphore, #tpu.memory_space<semaphore_mem>>) src(%arg6 : memref<128x128xf32, #tpu.memory_space<hbm>>) dst(%arg13 : memref<128x128xf32, #tpu.memory_space<vmem>>)
      tpu.yield
    }) : () -> ()
    %scan3A = arith.constant 0 : i32
    %scan3A_21 = arith.constant 0 : i32
    %scan3A_22 = arith.constant 80 : i32
    %scan3A_23 = arith.addi %scan3A_21, %scan3A_22 : i32
    %scan3A_24 = arith.constant 1 : i32
    scf.for %scan3A_75 = %scan3A_21 to %scan3A_23 step %scan3A_24  : i32 {
      %dma_start3A_76 = arith.constant 0 : i32
      %dma_start3A_77 = tpu.memref_slice %arg9[%scan3A_75, %dma_start3A_76] : memref<80x128xi32, #tpu.memory_space<vmem>> -> memref<1x128xi32, #tpu.memory_space<vmem>>
      %dma_start3A_78 = tpu.memref_squeeze %dma_start3A_77 : memref<1x128xi32, #tpu.memory_space<vmem>> -> memref<128xi32, #tpu.memory_space<vmem>>
      %dma_start3A_79 = arith.constant 0 : i32
      %dma_start3A_80 = arith.constant 0 : i32
      %dma_start3A_81 = tpu.memref_slice %arg20[%dma_start3A_79, %dma_start3A_80] : memref<10240x128xf32, #tpu.memory_space<vmem_shared>> -> memref<10240x128xf32, #tpu.memory_space<vmem_shared>>
      tpu.enqueue_indirect_dma source(%arg13 : memref<128x128xf32, #tpu.memory_space<vmem>>) target(%dma_start3A_81 : memref<10240x128xf32, #tpu.memory_space<vmem_shared>>) offsets(%dma_start3A_78 : memref<128xi32, #tpu.memory_space<vmem>>) semaphore(%arg17 : memref<!tpu.dma_semaphore, #tpu.memory_space<semaphore_mem>>) {add = true}
    }
    %scan3A_25 = arith.constant 80 : i32
    %scan3A_26 = arith.constant 0 : i32
    %scan3A_27 = arith.constant 0 : i32
    %scan3A_28 = arith.constant 80 : i32
    %scan3A_29 = arith.addi %scan3A_27, %scan3A_28 : i32
    %scan3A_30 = arith.constant 1 : i32
    scf.for %scan3A_75 = %scan3A_27 to %scan3A_29 step %scan3A_30  : i32 {
      %dma_wait3A = arith.constant 0 : i32
      %dma_wait3A_76 = tpu.memref_slice %arg9[%scan3A_75, %dma_wait3A] : memref<80x128xi32, #tpu.memory_space<vmem>> -> memref<1x128xi32, #tpu.memory_space<vmem>>
      %dma_wait3A_77 = tpu.memref_squeeze %dma_wait3A_76 : memref<1x128xi32, #tpu.memory_space<vmem>> -> memref<128xi32, #tpu.memory_space<vmem>>
      %dma_wait3A_78 = arith.constant 0 : i32
      %dma_wait3A_79 = arith.constant 0 : i32
      %dma_wait3A_80 = tpu.memref_slice %arg20[%dma_wait3A_78, %dma_wait3A_79] : memref<10240x128xf32, #tpu.memory_space<vmem_shared>> -> memref<10240x128xf32, #tpu.memory_space<vmem_shared>>
      tpu.wait_indirect_dma semaphore(%arg17 : memref<!tpu.dma_semaphore, #tpu.memory_space<semaphore_mem>>) src(%arg13 : memref<128x128xf32, #tpu.memory_space<vmem>>) dst(%dma_wait3A_80 : memref<10240x128xf32, #tpu.memory_space<vmem_shared>>)
    }
    %scan3A_31 = arith.constant 80 : i32
    %barrier3A_32 = arith.constant 0 : index
    tpu.barrier barrier_id(%barrier3A_32)
    %mul3A_33 = arith.constant 640 : i32
    %mul3A_34 = arith.muli %arg1, %mul3A_33 : i32
    %mul3A_35 = arith.constant 640 : i32
    %mul3A_36 = arith.muli %arg1, %mul3A_35 : i32
    "tpu.region"() ({
      %run_scoped3A_75 = tpu.sem_alloc : memref<!tpu.dma_semaphore, #tpu.memory_space<semaphore_mem>>
      %dma_start3A_76 = arith.constant 0 : i32
      %dma_start3A_77 = tpu.memref_slice %arg8[%arg0, %mul3A_36, %dma_start3A_76] : memref<2x10240x128xf32, #tpu.memory_space<hbm>> -> memref<1x640x128xf32, #tpu.memory_space<hbm>>
      %dma_start3A_78 = tpu.memref_squeeze %dma_start3A_77 : memref<1x640x128xf32, #tpu.memory_space<hbm>> -> memref<640x128xf32, #tpu.memory_space<hbm>>
      %dma_start3A_79 = arith.constant 0 : i32
      %dma_start3A_80 = tpu.memref_slice %arg20[%mul3A_34, %dma_start3A_79] : memref<10240x128xf32, #tpu.memory_space<vmem_shared>> -> memref<640x128xf32, #tpu.memory_space<vmem_shared>>
      tpu.enqueue_dma source(%dma_start3A_80 : memref<640x128xf32, #tpu.memory_space<vmem_shared>>) target(%dma_start3A_78 : memref<640x128xf32, #tpu.memory_space<hbm>>) target_semaphore(%run_scoped3A_75 : memref<!tpu.dma_semaphore, #tpu.memory_space<semaphore_mem>>)
      %dma_wait3A = arith.constant 0 : i32
      %dma_wait3A_81 = tpu.memref_slice %arg8[%arg0, %mul3A_36, %dma_wait3A] : memref<2x10240x128xf32, #tpu.memory_space<hbm>> -> memref<1x640x128xf32, #tpu.memory_space<hbm>>
      %dma_wait3A_82 = tpu.memref_squeeze %dma_wait3A_81 : memref<1x640x128xf32, #tpu.memory_space<hbm>> -> memref<640x128xf32, #tpu.memory_space<hbm>>
      %dma_wait3A_83 = arith.constant 0 : i32
      %dma_wait3A_84 = tpu.memref_slice %arg20[%mul3A_34, %dma_wait3A_83] : memref<10240x128xf32, #tpu.memory_space<vmem_shared>> -> memref<640x128xf32, #tpu.memory_space<vmem_shared>>
      tpu.wait_dma2 semaphore(%run_scoped3A_75 : memref<!tpu.dma_semaphore, #tpu.memory_space<semaphore_mem>>) src(%dma_wait3A_84 : memref<640x128xf32, #tpu.memory_space<vmem_shared>>) dst(%dma_wait3A_82 : memref<640x128xf32, #tpu.memory_space<hbm>>)
      tpu.yield
    }) : () -> ()
    %mul3A_37 = arith.constant 640 : i32
    %mul3A_38 = arith.muli %arg1, %mul3A_37 : i32
    %add3A_39 = arith.constant 0 : i32
    %add3A_40 = arith.addi %mul3A_38, %add3A_39 : i32
    "tpu.region"() ({
      %run_scoped3A_75 = tpu.sem_alloc : memref<!tpu.dma_semaphore, #tpu.memory_space<semaphore_mem>>
      %dma_start3A_76 = arith.constant 0 : i32
      %dma_start3A_77 = tpu.memref_slice %arg20[%add3A_40, %dma_start3A_76] : memref<10240x128xf32, #tpu.memory_space<vmem_shared>> -> memref<128x128xf32, #tpu.memory_space<vmem_shared>>
      %dma_start3A_78 = arith.constant 0 : i32
      %dma_start3A_79 = tpu.memref_slice %arg20[%add3A_40, %dma_start3A_78] : memref<10240x128xf32, #tpu.memory_space<vmem_shared>> -> memref<128x128xf32, #tpu.memory_space<vmem_shared>>
      tpu.enqueue_dma source(%arg12 : memref<128x128xf32, #tpu.memory_space<vmem>>) target(%dma_start3A_79 : memref<128x128xf32, #tpu.memory_space<vmem_shared>>) target_semaphore(%run_scoped3A_75 : memref<!tpu.dma_semaphore, #tpu.memory_space<semaphore_mem>>)
      %dma_wait3A = arith.constant 0 : i32
      %dma_wait3A_80 = tpu.memref_slice %arg20[%add3A_40, %dma_wait3A] : memref<10240x128xf32, #tpu.memory_space<vmem_shared>> -> memref<128x128xf32, #tpu.memory_space<vmem_shared>>
      %dma_wait3A_81 = arith.constant 0 : i32
      %dma_wait3A_82 = tpu.memref_slice %arg20[%add3A_40, %dma_wait3A_81] : memref<10240x128xf32, #tpu.memory_space<vmem_shared>> -> memref<128x128xf32, #tpu.memory_space<vmem_shared>>
      tpu.wait_dma2 semaphore(%run_scoped3A_75 : memref<!tpu.dma_semaphore, #tpu.memory_space<semaphore_mem>>) src(%arg12 : memref<128x128xf32, #tpu.memory_space<vmem>>) dst(%dma_wait3A_82 : memref<128x128xf32, #tpu.memory_space<vmem_shared>>)
      tpu.yield
    }) : () -> ()
    %mul3A_41 = arith.constant 640 : i32
    %mul3A_42 = arith.muli %arg1, %mul3A_41 : i32
    %add3A_43 = arith.constant 128 : i32
    %add3A_44 = arith.addi %mul3A_42, %add3A_43 : i32
    "tpu.region"() ({
      %run_scoped3A_75 = tpu.sem_alloc : memref<!tpu.dma_semaphore, #tpu.memory_space<semaphore_mem>>
      %dma_start3A_76 = arith.constant 0 : i32
      %dma_start3A_77 = tpu.memref_slice %arg20[%add3A_44, %dma_start3A_76] : memref<10240x128xf32, #tpu.memory_space<vmem_shared>> -> memref<128x128xf32, #tpu.memory_space<vmem_shared>>
      %dma_start3A_78 = arith.constant 0 : i32
      %dma_start3A_79 = tpu.memref_slice %arg20[%add3A_44, %dma_start3A_78] : memref<10240x128xf32, #tpu.memory_space<vmem_shared>> -> memref<128x128xf32, #tpu.memory_space<vmem_shared>>
      tpu.enqueue_dma source(%arg12 : memref<128x128xf32, #tpu.memory_space<vmem>>) target(%dma_start3A_79 : memref<128x128xf32, #tpu.memory_space<vmem_shared>>) target_semaphore(%run_scoped3A_75 : memref<!tpu.dma_semaphore, #tpu.memory_space<semaphore_mem>>)
      %dma_wait3A = arith.constant 0 : i32
      %dma_wait3A_80 = tpu.memref_slice %arg20[%add3A_44, %dma_wait3A] : memref<10240x128xf32, #tpu.memory_space<vmem_shared>> -> memref<128x128xf32, #tpu.memory_space<vmem_shared>>
      %dma_wait3A_81 = arith.constant 0 : i32
      %dma_wait3A_82 = tpu.memref_slice %arg20[%add3A_44, %dma_wait3A_81] : memref<10240x128xf32, #tpu.memory_space<vmem_shared>> -> memref<128x128xf32, #tpu.memory_space<vmem_shared>>
      tpu.wait_dma2 semaphore(%run_scoped3A_75 : memref<!tpu.dma_semaphore, #tpu.memory_space<semaphore_mem>>) src(%arg12 : memref<128x128xf32, #tpu.memory_space<vmem>>) dst(%dma_wait3A_82 : memref<128x128xf32, #tpu.memory_space<vmem_shared>>)
      tpu.yield
    }) : () -> ()
    %mul3A_45 = arith.constant 640 : i32
    %mul3A_46 = arith.muli %arg1, %mul3A_45 : i32
    %add3A_47 = arith.constant 256 : i32
    %add3A_48 = arith.addi %mul3A_46, %add3A_47 : i32
    "tpu.region"() ({
      %run_scoped3A_75 = tpu.sem_alloc : memref<!tpu.dma_semaphore, #tpu.memory_space<semaphore_mem>>
      %dma_start3A_76 = arith.constant 0 : i32
      %dma_start3A_77 = tpu.memref_slice %arg20[%add3A_48, %dma_start3A_76] : memref<10240x128xf32, #tpu.memory_space<vmem_shared>> -> memref<128x128xf32, #tpu.memory_space<vmem_shared>>
      %dma_start3A_78 = arith.constant 0 : i32
      %dma_start3A_79 = tpu.memref_slice %arg20[%add3A_48, %dma_start3A_78] : memref<10240x128xf32, #tpu.memory_space<vmem_shared>> -> memref<128x128xf32, #tpu.memory_space<vmem_shared>>
      tpu.enqueue_dma source(%arg12 : memref<128x128xf32, #tpu.memory_space<vmem>>) target(%dma_start3A_79 : memref<128x128xf32, #tpu.memory_space<vmem_shared>>) target_semaphore(%run_scoped3A_75 : memref<!tpu.dma_semaphore, #tpu.memory_space<semaphore_mem>>)
      %dma_wait3A = arith.constant 0 : i32
      %dma_wait3A_80 = tpu.memref_slice %arg20[%add3A_48, %dma_wait3A] : memref<10240x128xf32, #tpu.memory_space<vmem_shared>> -> memref<128x128xf32, #tpu.memory_space<vmem_shared>>
      %dma_wait3A_81 = arith.constant 0 : i32
      %dma_wait3A_82 = tpu.memref_slice %arg20[%add3A_48, %dma_wait3A_81] : memref<10240x128xf32, #tpu.memory_space<vmem_shared>> -> memref<128x128xf32, #tpu.memory_space<vmem_shared>>
      tpu.wait_dma2 semaphore(%run_scoped3A_75 : memref<!tpu.dma_semaphore, #tpu.memory_space<semaphore_mem>>) src(%arg12 : memref<128x128xf32, #tpu.memory_space<vmem>>) dst(%dma_wait3A_82 : memref<128x128xf32, #tpu.memory_space<vmem_shared>>)
      tpu.yield
    }) : () -> ()
    %mul3A_49 = arith.constant 640 : i32
    %mul3A_50 = arith.muli %arg1, %mul3A_49 : i32
    %add3A_51 = arith.constant 384 : i32
    %add3A_52 = arith.addi %mul3A_50, %add3A_51 : i32
    "tpu.region"() ({
      %run_scoped3A_75 = tpu.sem_alloc : memref<!tpu.dma_semaphore, #tpu.memory_space<semaphore_mem>>
      %dma_start3A_76 = arith.constant 0 : i32
      %dma_start3A_77 = tpu.memref_slice %arg20[%add3A_52, %dma_start3A_76] : memref<10240x128xf32, #tpu.memory_space<vmem_shared>> -> memref<128x128xf32, #tpu.memory_space<vmem_shared>>
      %dma_start3A_78 = arith.constant 0 : i32
      %dma_start3A_79 = tpu.memref_slice %arg20[%add3A_52, %dma_start3A_78] : memref<10240x128xf32, #tpu.memory_space<vmem_shared>> -> memref<128x128xf32, #tpu.memory_space<vmem_shared>>
      tpu.enqueue_dma source(%arg12 : memref<128x128xf32, #tpu.memory_space<vmem>>) target(%dma_start3A_79 : memref<128x128xf32, #tpu.memory_space<vmem_shared>>) target_semaphore(%run_scoped3A_75 : memref<!tpu.dma_semaphore, #tpu.memory_space<semaphore_mem>>)
      %dma_wait3A = arith.constant 0 : i32
      %dma_wait3A_80 = tpu.memref_slice %arg20[%add3A_52, %dma_wait3A] : memref<10240x128xf32, #tpu.memory_space<vmem_shared>> -> memref<128x128xf32, #tpu.memory_space<vmem_shared>>
      %dma_wait3A_81 = arith.constant 0 : i32
      %dma_wait3A_82 = tpu.memref_slice %arg20[%add3A_52, %dma_wait3A_81] : memref<10240x128xf32, #tpu.memory_space<vmem_shared>> -> memref<128x128xf32, #tpu.memory_space<vmem_shared>>
      tpu.wait_dma2 semaphore(%run_scoped3A_75 : memref<!tpu.dma_semaphore, #tpu.memory_space<semaphore_mem>>) src(%arg12 : memref<128x128xf32, #tpu.memory_space<vmem>>) dst(%dma_wait3A_82 : memref<128x128xf32, #tpu.memory_space<vmem_shared>>)
      tpu.yield
    }) : () -> ()
    %mul3A_53 = arith.constant 640 : i32
    %mul3A_54 = arith.muli %arg1, %mul3A_53 : i32
    %add3A_55 = arith.constant 512 : i32
    %add3A_56 = arith.addi %mul3A_54, %add3A_55 : i32
    "tpu.region"() ({
      %run_scoped3A_75 = tpu.sem_alloc : memref<!tpu.dma_semaphore, #tpu.memory_space<semaphore_mem>>
      %dma_start3A_76 = arith.constant 0 : i32
      %dma_start3A_77 = tpu.memref_slice %arg20[%add3A_56, %dma_start3A_76] : memref<10240x128xf32, #tpu.memory_space<vmem_shared>> -> memref<128x128xf32, #tpu.memory_space<vmem_shared>>
      %dma_start3A_78 = arith.constant 0 : i32
      %dma_start3A_79 = tpu.memref_slice %arg20[%add3A_56, %dma_start3A_78] : memref<10240x128xf32, #tpu.memory_space<vmem_shared>> -> memref<128x128xf32, #tpu.memory_space<vmem_shared>>
      tpu.enqueue_dma source(%arg12 : memref<128x128xf32, #tpu.memory_space<vmem>>) target(%dma_start3A_79 : memref<128x128xf32, #tpu.memory_space<vmem_shared>>) target_semaphore(%run_scoped3A_75 : memref<!tpu.dma_semaphore, #tpu.memory_space<semaphore_mem>>)
      %dma_wait3A = arith.constant 0 : i32
      %dma_wait3A_80 = tpu.memref_slice %arg20[%add3A_56, %dma_wait3A] : memref<10240x128xf32, #tpu.memory_space<vmem_shared>> -> memref<128x128xf32, #tpu.memory_space<vmem_shared>>
      %dma_wait3A_81 = arith.constant 0 : i32
      %dma_wait3A_82 = tpu.memref_slice %arg20[%add3A_56, %dma_wait3A_81] : memref<10240x128xf32, #tpu.memory_space<vmem_shared>> -> memref<128x128xf32, #tpu.memory_space<vmem_shared>>
      tpu.wait_dma2 semaphore(%run_scoped3A_75 : memref<!tpu.dma_semaphore, #tpu.memory_space<semaphore_mem>>) src(%arg12 : memref<128x128xf32, #tpu.memory_space<vmem>>) dst(%dma_wait3A_82 : memref<128x128xf32, #tpu.memory_space<vmem_shared>>)
      tpu.yield
    }) : () -> ()
    %barrier3A_57 = arith.constant 0 : index
    tpu.barrier barrier_id(%barrier3A_57)
    %run_scoped3A = arith.constant 0 : i32
    "tpu.region"() ({
      %run_scoped3A_75 = tpu.sem_alloc : memref<!tpu.dma_semaphore, #tpu.memory_space<semaphore_mem>>
      %dma_start3A_76 = arith.constant 0 : i32
      %dma_start3A_77 = tpu.memref_slice %arg3[%add3A, %run_scoped3A, %dma_start3A_76] : memref<32x80x128xi32, #tpu.memory_space<hbm>> -> memref<1x1x128xi32, #tpu.memory_space<hbm>>
      %dma_start3A_78 = tpu.memref_squeeze %dma_start3A_77 : memref<1x1x128xi32, #tpu.memory_space<hbm>> -> memref<128xi32, #tpu.memory_space<hbm>>
      %dma_start3A_79 = arith.constant 0 : i32
      %dma_start3A_80 = tpu.memref_slice %arg3[%add3A, %run_scoped3A, %dma_start3A_79] : memref<32x80x128xi32, #tpu.memory_space<hbm>> -> memref<1x1x128xi32, #tpu.memory_space<hbm>>
      %dma_start3A_81 = tpu.memref_squeeze %dma_start3A_80 : memref<1x1x128xi32, #tpu.memory_space<hbm>> -> memref<128xi32, #tpu.memory_space<hbm>>
      tpu.enqueue_dma source(%dma_start3A_81 : memref<128xi32, #tpu.memory_space<hbm>>) target(%arg10 : memref<128xi32, #tpu.memory_space<vmem>>) target_semaphore(%run_scoped3A_75 : memref<!tpu.dma_semaphore, #tpu.memory_space<semaphore_mem>>)
      %dma_wait3A = arith.constant 0 : i32
      %dma_wait3A_82 = tpu.memref_slice %arg3[%add3A, %run_scoped3A, %dma_wait3A] : memref<32x80x128xi32, #tpu.memory_space<hbm>> -> memref<1x1x128xi32, #tpu.memory_space<hbm>>
      %dma_wait3A_83 = tpu.memref_squeeze %dma_wait3A_82 : memref<1x1x128xi32, #tpu.memory_space<hbm>> -> memref<128xi32, #tpu.memory_space<hbm>>
      %dma_wait3A_84 = arith.constant 0 : i32
      %dma_wait3A_85 = tpu.memref_slice %arg3[%add3A, %run_scoped3A, %dma_wait3A_84] : memref<32x80x128xi32, #tpu.memory_space<hbm>> -> memref<1x1x128xi32, #tpu.memory_space<hbm>>
      %dma_wait3A_86 = tpu.memref_squeeze %dma_wait3A_85 : memref<1x1x128xi32, #tpu.memory_space<hbm>> -> memref<128xi32, #tpu.memory_space<hbm>>
      tpu.wait_dma2 semaphore(%run_scoped3A_75 : memref<!tpu.dma_semaphore, #tpu.memory_space<semaphore_mem>>) src(%dma_wait3A_86 : memref<128xi32, #tpu.memory_space<hbm>>) dst(%arg10 : memref<128xi32, #tpu.memory_space<vmem>>)
      tpu.yield
    }) : () -> ()
    %dma_start3A = arith.constant 0 : i32
    %dma_start3A_58 = arith.constant 0 : i32
    %dma_start3A_59 = tpu.memref_slice %arg2[%dma_start3A, %dma_start3A_58] : memref<10240x128xf32, #tpu.memory_space<hbm>> -> memref<10240x128xf32, #tpu.memory_space<hbm>>
    tpu.enqueue_indirect_dma source(%dma_start3A_59 : memref<10240x128xf32, #tpu.memory_space<hbm>>) target(%arg12 : memref<128x128xf32, #tpu.memory_space<vmem>>) offsets(%arg10 : memref<128xi32, #tpu.memory_space<vmem>>) semaphore(%arg14 : memref<!tpu.dma_semaphore, #tpu.memory_space<semaphore_mem>>)
    %run_scoped3A_60 = arith.constant 1 : i32
    "tpu.region"() ({
      %run_scoped3A_75 = tpu.sem_alloc : memref<!tpu.dma_semaphore, #tpu.memory_space<semaphore_mem>>
      %dma_start3A_76 = arith.constant 0 : i32
      %dma_start3A_77 = tpu.memref_slice %arg3[%add3A, %run_scoped3A_60, %dma_start3A_76] : memref<32x80x128xi32, #tpu.memory_space<hbm>> -> memref<1x1x128xi32, #tpu.memory_space<hbm>>
      %dma_start3A_78 = tpu.memref_squeeze %dma_start3A_77 : memref<1x1x128xi32, #tpu.memory_space<hbm>> -> memref<128xi32, #tpu.memory_space<hbm>>
      %dma_start3A_79 = arith.constant 0 : i32
      %dma_start3A_80 = tpu.memref_slice %arg3[%add3A, %run_scoped3A_60, %dma_start3A_79] : memref<32x80x128xi32, #tpu.memory_space<hbm>> -> memref<1x1x128xi32, #tpu.memory_space<hbm>>
      %dma_start3A_81 = tpu.memref_squeeze %dma_start3A_80 : memref<1x1x128xi32, #tpu.memory_space<hbm>> -> memref<128xi32, #tpu.memory_space<hbm>>
      tpu.enqueue_dma source(%dma_start3A_81 : memref<128xi32, #tpu.memory_space<hbm>>) target(%arg11 : memref<128xi32, #tpu.memory_space<vmem>>) target_semaphore(%run_scoped3A_75 : memref<!tpu.dma_semaphore, #tpu.memory_space<semaphore_mem>>)
      %dma_wait3A = arith.constant 0 : i32
      %dma_wait3A_82 = tpu.memref_slice %arg3[%add3A, %run_scoped3A_60, %dma_wait3A] : memref<32x80x128xi32, #tpu.memory_space<hbm>> -> memref<1x1x128xi32, #tpu.memory_space<hbm>>
      %dma_wait3A_83 = tpu.memref_squeeze %dma_wait3A_82 : memref<1x1x128xi32, #tpu.memory_space<hbm>> -> memref<128xi32, #tpu.memory_space<hbm>>
      %dma_wait3A_84 = arith.constant 0 : i32
      %dma_wait3A_85 = tpu.memref_slice %arg3[%add3A, %run_scoped3A_60, %dma_wait3A_84] : memref<32x80x128xi32, #tpu.memory_space<hbm>> -> memref<1x1x128xi32, #tpu.memory_space<hbm>>
      %dma_wait3A_86 = tpu.memref_squeeze %dma_wait3A_85 : memref<1x1x128xi32, #tpu.memory_space<hbm>> -> memref<128xi32, #tpu.memory_space<hbm>>
      tpu.wait_dma2 semaphore(%run_scoped3A_75 : memref<!tpu.dma_semaphore, #tpu.memory_space<semaphore_mem>>) src(%dma_wait3A_86 : memref<128xi32, #tpu.memory_space<hbm>>) dst(%arg11 : memref<128xi32, #tpu.memory_space<vmem>>)
      tpu.yield
    }) : () -> ()
    %dma_start3A_61 = arith.constant 0 : i32
    %dma_start3A_62 = arith.constant 0 : i32
    %dma_start3A_63 = tpu.memref_slice %arg2[%dma_start3A_61, %dma_start3A_62] : memref<10240x128xf32, #tpu.memory_space<hbm>> -> memref<10240x128xf32, #tpu.memory_space<hbm>>
    tpu.enqueue_indirect_dma source(%dma_start3A_63 : memref<10240x128xf32, #tpu.memory_space<hbm>>) target(%arg13 : memref<128x128xf32, #tpu.memory_space<vmem>>) offsets(%arg11 : memref<128xi32, #tpu.memory_space<vmem>>) semaphore(%arg15 : memref<!tpu.dma_semaphore, #tpu.memory_space<semaphore_mem>>)
    %scan3A_64 = arith.constant 0 : i32
    %scan3A_65 = arith.constant 0 : i32
    %scan3A_66 = arith.constant 40 : i32
    %scan3A_67 = arith.addi %scan3A_65, %scan3A_66 : i32
    %scan3A_68 = arith.constant 1 : i32
    scf.for %scan3A_75 = %scan3A_65 to %scan3A_67 step %scan3A_68  : i32 {
      %mul3A_76 = arith.constant 2 : i32
      %mul3A_77 = arith.muli %scan3A_75, %mul3A_76 : i32
      %add3A_78 = arith.constant 0 : i32
      %add3A_79 = arith.addi %mul3A_77, %add3A_78 : i32
      %dma_wait3A = arith.constant 0 : i32
      %dma_wait3A_80 = arith.constant 0 : i32
      %dma_wait3A_81 = tpu.memref_slice %arg2[%dma_wait3A, %dma_wait3A_80] : memref<10240x128xf32, #tpu.memory_space<hbm>> -> memref<10240x128xf32, #tpu.memory_space<hbm>>
      tpu.wait_indirect_dma semaphore(%arg14 : memref<!tpu.dma_semaphore, #tpu.memory_space<semaphore_mem>>) src(%dma_wait3A_81 : memref<10240x128xf32, #tpu.memory_space<hbm>>) dst(%arg12 : memref<128x128xf32, #tpu.memory_space<vmem>>)
      %dma_start3A_82 = arith.constant 0 : i32
      %dma_start3A_83 = tpu.memref_slice %arg9[%add3A_79, %dma_start3A_82] : memref<80x128xi32, #tpu.memory_space<vmem>> -> memref<1x128xi32, #tpu.memory_space<vmem>>
      %dma_start3A_84 = tpu.memref_squeeze %dma_start3A_83 : memref<1x128xi32, #tpu.memory_space<vmem>> -> memref<128xi32, #tpu.memory_space<vmem>>
      %dma_start3A_85 = arith.constant 0 : i32
      %dma_start3A_86 = arith.constant 0 : i32
      %dma_start3A_87 = tpu.memref_slice %arg20[%dma_start3A_85, %dma_start3A_86] : memref<10240x128xf32, #tpu.memory_space<vmem_shared>> -> memref<10240x128xf32, #tpu.memory_space<vmem_shared>>
      tpu.enqueue_indirect_dma source(%arg12 : memref<128x128xf32, #tpu.memory_space<vmem>>) target(%dma_start3A_87 : memref<10240x128xf32, #tpu.memory_space<vmem_shared>>) offsets(%dma_start3A_84 : memref<128xi32, #tpu.memory_space<vmem>>) semaphore(%arg16 : memref<!tpu.dma_semaphore, #tpu.memory_space<semaphore_mem>>) {add = true}
      %add3A_88 = arith.constant 2 : i32
      %add3A_89 = arith.addi %add3A_79, %add3A_88 : i32
      %lt3A = arith.constant 80 : i32
      %lt3A_90 = arith.cmpi slt, %add3A_89, %lt3A : i32
      %convert_element_type3A = arith.extui %lt3A_90 : i1 to i32
      %cond3A = arith.constant 0 : i32
      %cond3A_91 = arith.cmpi ne, %convert_element_type3A, %cond3A : i32
      scf.if %cond3A_91 {
        %add3A_138 = arith.constant 2 : i32
        %add3A_139 = arith.addi %add3A_79, %add3A_138 : i32
        %dma_start3A_140 = arith.constant 0 : i32
        %dma_start3A_141 = tpu.memref_slice %arg3[%add3A, %add3A_139, %dma_start3A_140] : memref<32x80x128xi32, #tpu.memory_space<hbm>> -> memref<1x1x128xi32, #tpu.memory_space<hbm>>
        %dma_start3A_142 = tpu.memref_squeeze %dma_start3A_141 : memref<1x1x128xi32, #tpu.memory_space<hbm>> -> memref<128xi32, #tpu.memory_space<hbm>>
        %dma_start3A_143 = arith.constant 0 : i32
        %dma_start3A_144 = tpu.memref_slice %arg3[%add3A, %add3A_139, %dma_start3A_143] : memref<32x80x128xi32, #tpu.memory_space<hbm>> -> memref<1x1x128xi32, #tpu.memory_space<hbm>>
        %dma_start3A_145 = tpu.memref_squeeze %dma_start3A_144 : memref<1x1x128xi32, #tpu.memory_space<hbm>> -> memref<128xi32, #tpu.memory_space<hbm>>
        tpu.enqueue_dma source(%dma_start3A_145 : memref<128xi32, #tpu.memory_space<hbm>>) target(%arg10 : memref<128xi32, #tpu.memory_space<vmem>>) target_semaphore(%arg18 : memref<!tpu.dma_semaphore, #tpu.memory_space<semaphore_mem>>)
      } else {
      }
      %dma_wait3A_92 = arith.constant 0 : i32
      %dma_wait3A_93 = tpu.memref_slice %arg9[%add3A_79, %dma_wait3A_92] : memref<80x128xi32, #tpu.memory_space<vmem>> -> memref<1x128xi32, #tpu.memory_space<vmem>>
      %dma_wait3A_94 = tpu.memref_squeeze %dma_wait3A_93 : memref<1x128xi32, #tpu.memory_space<vmem>> -> memref<128xi32, #tpu.memory_space<vmem>>
      %dma_wait3A_95 = arith.constant 0 : i32
      %dma_wait3A_96 = arith.constant 0 : i32
      %dma_wait3A_97 = tpu.memref_slice %arg20[%dma_wait3A_95, %dma_wait3A_96] : memref<10240x128xf32, #tpu.memory_space<vmem_shared>> -> memref<10240x128xf32, #tpu.memory_space<vmem_shared>>
      tpu.wait_indirect_dma semaphore(%arg16 : memref<!tpu.dma_semaphore, #tpu.memory_space<semaphore_mem>>) src(%arg12 : memref<128x128xf32, #tpu.memory_space<vmem>>) dst(%dma_wait3A_97 : memref<10240x128xf32, #tpu.memory_space<vmem_shared>>)
      %add3A_98 = arith.constant 2 : i32
      %add3A_99 = arith.addi %add3A_79, %add3A_98 : i32
      %lt3A_100 = arith.constant 80 : i32
      %lt3A_101 = arith.cmpi slt, %add3A_99, %lt3A_100 : i32
      %convert_element_type3A_102 = arith.extui %lt3A_101 : i1 to i32
      %cond3A_103 = arith.constant 0 : i32
      %cond3A_104 = arith.cmpi ne, %convert_element_type3A_102, %cond3A_103 : i32
      scf.if %cond3A_104 {
        %add3A_138 = arith.constant 2 : i32
        %add3A_139 = arith.addi %add3A_79, %add3A_138 : i32
        %dma_wait3A_140 = arith.constant 0 : i32
        %dma_wait3A_141 = tpu.memref_slice %arg3[%add3A, %add3A_139, %dma_wait3A_140] : memref<32x80x128xi32, #tpu.memory_space<hbm>> -> memref<1x1x128xi32, #tpu.memory_space<hbm>>
        %dma_wait3A_142 = tpu.memref_squeeze %dma_wait3A_141 : memref<1x1x128xi32, #tpu.memory_space<hbm>> -> memref<128xi32, #tpu.memory_space<hbm>>
        %dma_wait3A_143 = arith.constant 0 : i32
        %dma_wait3A_144 = tpu.memref_slice %arg3[%add3A, %add3A_139, %dma_wait3A_143] : memref<32x80x128xi32, #tpu.memory_space<hbm>> -> memref<1x1x128xi32, #tpu.memory_space<hbm>>
        %dma_wait3A_145 = tpu.memref_squeeze %dma_wait3A_144 : memref<1x1x128xi32, #tpu.memory_space<hbm>> -> memref<128xi32, #tpu.memory_space<hbm>>
        tpu.wait_dma2 semaphore(%arg18 : memref<!tpu.dma_semaphore, #tpu.memory_space<semaphore_mem>>) src(%dma_wait3A_145 : memref<128xi32, #tpu.memory_space<hbm>>) dst(%arg10 : memref<128xi32, #tpu.memory_space<vmem>>)
        %dma_start3A_146 = arith.constant 0 : i32
        %dma_start3A_147 = arith.constant 0 : i32
        %dma_start3A_148 = tpu.memref_slice %arg2[%dma_start3A_146, %dma_start3A_147] : memref<10240x128xf32, #tpu.memory_space<hbm>> -> memref<10240x128xf32, #tpu.memory_space<hbm>>
        tpu.enqueue_indirect_dma source(%dma_start3A_148 : memref<10240x128xf32, #tpu.memory_space<hbm>>) target(%arg12 : memref<128x128xf32, #tpu.memory_space<vmem>>) offsets(%arg10 : memref<128xi32, #tpu.memory_space<vmem>>) semaphore(%arg14 : memref<!tpu.dma_semaphore, #tpu.memory_space<semaphore_mem>>)
      } else {
      }
      %mul3A_105 = arith.constant 2 : i32
      %mul3A_106 = arith.muli %scan3A_75, %mul3A_105 : i32
      %add3A_107 = arith.constant 1 : i32
      %add3A_108 = arith.addi %mul3A_106, %add3A_107 : i32
      %dma_wait3A_109 = arith.constant 0 : i32
      %dma_wait3A_110 = arith.constant 0 : i32
      %dma_wait3A_111 = tpu.memref_slice %arg2[%dma_wait3A_109, %dma_wait3A_110] : memref<10240x128xf32, #tpu.memory_space<hbm>> -> memref<10240x128xf32, #tpu.memory_space<hbm>>
      tpu.wait_indirect_dma semaphore(%arg15 : memref<!tpu.dma_semaphore, #tpu.memory_space<semaphore_mem>>) src(%dma_wait3A_111 : memref<10240x128xf32, #tpu.memory_space<hbm>>) dst(%arg13 : memref<128x128xf32, #tpu.memory_space<vmem>>)
      %dma_start3A_112 = arith.constant 0 : i32
      %dma_start3A_113 = tpu.memref_slice %arg9[%add3A_108, %dma_start3A_112] : memref<80x128xi32, #tpu.memory_space<vmem>> -> memref<1x128xi32, #tpu.memory_space<vmem>>
      %dma_start3A_114 = tpu.memref_squeeze %dma_start3A_113 : memref<1x128xi32, #tpu.memory_space<vmem>> -> memref<128xi32, #tpu.memory_space<vmem>>
      %dma_start3A_115 = arith.constant 0 : i32
      %dma_start3A_116 = arith.constant 0 : i32
      %dma_start3A_117 = tpu.memref_slice %arg20[%dma_start3A_115, %dma_start3A_116] : memref<10240x128xf32, #tpu.memory_space<vmem_shared>> -> memref<10240x128xf32, #tpu.memory_space<vmem_shared>>
      tpu.enqueue_indirect_dma source(%arg13 : memref<128x128xf32, #tpu.memory_space<vmem>>) target(%dma_start3A_117 : memref<10240x128xf32, #tpu.memory_space<vmem_shared>>) offsets(%dma_start3A_114 : memref<128xi32, #tpu.memory_space<vmem>>) semaphore(%arg17 : memref<!tpu.dma_semaphore, #tpu.memory_space<semaphore_mem>>) {add = true}
      %add3A_118 = arith.constant 2 : i32
      %add3A_119 = arith.addi %add3A_108, %add3A_118 : i32
      %lt3A_120 = arith.constant 80 : i32
      %lt3A_121 = arith.cmpi slt, %add3A_119, %lt3A_120 : i32
      %convert_element_type3A_122 = arith.extui %lt3A_121 : i1 to i32
      %cond3A_123 = arith.constant 0 : i32
      %cond3A_124 = arith.cmpi ne, %convert_element_type3A_122, %cond3A_123 : i32
      scf.if %cond3A_124 {
        %add3A_138 = arith.constant 2 : i32
        %add3A_139 = arith.addi %add3A_108, %add3A_138 : i32
        %dma_start3A_140 = arith.constant 0 : i32
        %dma_start3A_141 = tpu.memref_slice %arg3[%add3A, %add3A_139, %dma_start3A_140] : memref<32x80x128xi32, #tpu.memory_space<hbm>> -> memref<1x1x128xi32, #tpu.memory_space<hbm>>
        %dma_start3A_142 = tpu.memref_squeeze %dma_start3A_141 : memref<1x1x128xi32, #tpu.memory_space<hbm>> -> memref<128xi32, #tpu.memory_space<hbm>>
        %dma_start3A_143 = arith.constant 0 : i32
        %dma_start3A_144 = tpu.memref_slice %arg3[%add3A, %add3A_139, %dma_start3A_143] : memref<32x80x128xi32, #tpu.memory_space<hbm>> -> memref<1x1x128xi32, #tpu.memory_space<hbm>>
        %dma_start3A_145 = tpu.memref_squeeze %dma_start3A_144 : memref<1x1x128xi32, #tpu.memory_space<hbm>> -> memref<128xi32, #tpu.memory_space<hbm>>
        tpu.enqueue_dma source(%dma_start3A_145 : memref<128xi32, #tpu.memory_space<hbm>>) target(%arg11 : memref<128xi32, #tpu.memory_space<vmem>>) target_semaphore(%arg19 : memref<!tpu.dma_semaphore, #tpu.memory_space<semaphore_mem>>)
      } else {
      }
      %dma_wait3A_125 = arith.constant 0 : i32
      %dma_wait3A_126 = tpu.memref_slice %arg9[%add3A_108, %dma_wait3A_125] : memref<80x128xi32, #tpu.memory_space<vmem>> -> memref<1x128xi32, #tpu.memory_space<vmem>>
      %dma_wait3A_127 = tpu.memref_squeeze %dma_wait3A_126 : memref<1x128xi32, #tpu.memory_space<vmem>> -> memref<128xi32, #tpu.memory_space<vmem>>
      %dma_wait3A_128 = arith.constant 0 : i32
      %dma_wait3A_129 = arith.constant 0 : i32
      %dma_wait3A_130 = tpu.memref_slice %arg20[%dma_wait3A_128, %dma_wait3A_129] : memref<10240x128xf32, #tpu.memory_space<vmem_shared>> -> memref<10240x128xf32, #tpu.memory_space<vmem_shared>>
      tpu.wait_indirect_dma semaphore(%arg17 : memref<!tpu.dma_semaphore, #tpu.memory_space<semaphore_mem>>) src(%arg13 : memref<128x128xf32, #tpu.memory_space<vmem>>) dst(%dma_wait3A_130 : memref<10240x128xf32, #tpu.memory_space<vmem_shared>>)
      %add3A_131 = arith.constant 2 : i32
      %add3A_132 = arith.addi %add3A_108, %add3A_131 : i32
      %lt3A_133 = arith.constant 80 : i32
      %lt3A_134 = arith.cmpi slt, %add3A_132, %lt3A_133 : i32
      %convert_element_type3A_135 = arith.extui %lt3A_134 : i1 to i32
      %cond3A_136 = arith.constant 0 : i32
      %cond3A_137 = arith.cmpi ne, %convert_element_type3A_135, %cond3A_136 : i32
      scf.if %cond3A_137 {
        %add3A_138 = arith.constant 2 : i32
        %add3A_139 = arith.addi %add3A_108, %add3A_138 : i32
        %dma_wait3A_140 = arith.constant 0 : i32
        %dma_wait3A_141 = tpu.memref_slice %arg3[%add3A, %add3A_139, %dma_wait3A_140] : memref<32x80x128xi32, #tpu.memory_space<hbm>> -> memref<1x1x128xi32, #tpu.memory_space<hbm>>
        %dma_wait3A_142 = tpu.memref_squeeze %dma_wait3A_141 : memref<1x1x128xi32, #tpu.memory_space<hbm>> -> memref<128xi32, #tpu.memory_space<hbm>>
        %dma_wait3A_143 = arith.constant 0 : i32
        %dma_wait3A_144 = tpu.memref_slice %arg3[%add3A, %add3A_139, %dma_wait3A_143] : memref<32x80x128xi32, #tpu.memory_space<hbm>> -> memref<1x1x128xi32, #tpu.memory_space<hbm>>
        %dma_wait3A_145 = tpu.memref_squeeze %dma_wait3A_144 : memref<1x1x128xi32, #tpu.memory_space<hbm>> -> memref<128xi32, #tpu.memory_space<hbm>>
        tpu.wait_dma2 semaphore(%arg19 : memref<!tpu.dma_semaphore, #tpu.memory_space<semaphore_mem>>) src(%dma_wait3A_145 : memref<128xi32, #tpu.memory_space<hbm>>) dst(%arg11 : memref<128xi32, #tpu.memory_space<vmem>>)
        %dma_start3A_146 = arith.constant 0 : i32
        %dma_start3A_147 = arith.constant 0 : i32
        %dma_start3A_148 = tpu.memref_slice %arg2[%dma_start3A_146, %dma_start3A_147] : memref<10240x128xf32, #tpu.memory_space<hbm>> -> memref<10240x128xf32, #tpu.memory_space<hbm>>
        tpu.enqueue_indirect_dma source(%dma_start3A_148 : memref<10240x128xf32, #tpu.memory_space<hbm>>) target(%arg13 : memref<128x128xf32, #tpu.memory_space<vmem>>) offsets(%arg11 : memref<128xi32, #tpu.memory_space<vmem>>) semaphore(%arg15 : memref<!tpu.dma_semaphore, #tpu.memory_space<semaphore_mem>>)
      } else {
      }
    }
    %scan3A_69 = arith.constant 40 : i32
    %barrier3A_70 = arith.constant 0 : index
    tpu.barrier barrier_id(%barrier3A_70)
    %mul3A_71 = arith.constant 640 : i32
    %mul3A_72 = arith.muli %arg1, %mul3A_71 : i32
    %mul3A_73 = arith.constant 640 : i32
    %mul3A_74 = arith.muli %arg1, %mul3A_73 : i32
    "tpu.region"() ({
      %run_scoped3A_75 = tpu.sem_alloc : memref<!tpu.dma_semaphore, #tpu.memory_space<semaphore_mem>>
      %dma_start3A_76 = arith.constant 0 : i32
      %dma_start3A_77 = tpu.memref_slice %arg7[%arg0, %mul3A_74, %dma_start3A_76] : memref<2x10240x128xf32, #tpu.memory_space<hbm>> -> memref<1x640x128xf32, #tpu.memory_space<hbm>>
      %dma_start3A_78 = tpu.memref_squeeze %dma_start3A_77 : memref<1x640x128xf32, #tpu.memory_space<hbm>> -> memref<640x128xf32, #tpu.memory_space<hbm>>
      %dma_start3A_79 = arith.constant 0 : i32
      %dma_start3A_80 = tpu.memref_slice %arg20[%mul3A_72, %dma_start3A_79] : memref<10240x128xf32, #tpu.memory_space<vmem_shared>> -> memref<640x128xf32, #tpu.memory_space<vmem_shared>>
      tpu.enqueue_dma source(%dma_start3A_80 : memref<640x128xf32, #tpu.memory_space<vmem_shared>>) target(%dma_start3A_78 : memref<640x128xf32, #tpu.memory_space<hbm>>) target_semaphore(%run_scoped3A_75 : memref<!tpu.dma_semaphore, #tpu.memory_space<semaphore_mem>>)
      %dma_wait3A = arith.constant 0 : i32
      %dma_wait3A_81 = tpu.memref_slice %arg7[%arg0, %mul3A_74, %dma_wait3A] : memref<2x10240x128xf32, #tpu.memory_space<hbm>> -> memref<1x640x128xf32, #tpu.memory_space<hbm>>
      %dma_wait3A_82 = tpu.memref_squeeze %dma_wait3A_81 : memref<1x640x128xf32, #tpu.memory_space<hbm>> -> memref<640x128xf32, #tpu.memory_space<hbm>>
      %dma_wait3A_83 = arith.constant 0 : i32
      %dma_wait3A_84 = tpu.memref_slice %arg20[%mul3A_72, %dma_wait3A_83] : memref<10240x128xf32, #tpu.memory_space<vmem_shared>> -> memref<640x128xf32, #tpu.memory_space<vmem_shared>>
      tpu.wait_dma2 semaphore(%run_scoped3A_75 : memref<!tpu.dma_semaphore, #tpu.memory_space<semaphore_mem>>) src(%dma_wait3A_84 : memref<640x128xf32, #tpu.memory_space<vmem_shared>>) dst(%dma_wait3A_82 : memref<640x128xf32, #tpu.memory_space<hbm>>)
      tpu.yield
    }) : () -> ()
    return
  }
}

#map = affine_map<(d0, d1) -> (0, 0)>
#map1 = affine_map<(d0, d1) -> (0, 0, 0)>
module attributes {stable_mosaic.version = 14 : i64} {
  func.func @_agg_only_body(%arg0: i32, %arg1: i32, %arg2: memref<10240x128xf32, #tpu.memory_space<hbm>>, %arg3: memref<32x80x128xi32, #tpu.memory_space<hbm>>, %arg4: memref<32x80x128xi32, #tpu.memory_space<hbm>>, %arg5: memref<128x128xf32, #tpu.memory_space<hbm>>, %arg6: memref<2x10240x128xf32, #tpu.memory_space<hbm>>, %arg7: memref<80x128xi32, #tpu.memory_space<vmem>>, %arg8: memref<128xi32, #tpu.memory_space<vmem>>, %arg9: memref<128xi32, #tpu.memory_space<vmem>>, %arg10: memref<128x128xf32, #tpu.memory_space<vmem>>, %arg11: memref<128x128xf32, #tpu.memory_space<vmem>>, %arg12: memref<!tpu.dma_semaphore, #tpu.memory_space<semaphore_mem>>, %arg13: memref<!tpu.dma_semaphore, #tpu.memory_space<semaphore_mem>>, %arg14: memref<!tpu.dma_semaphore, #tpu.memory_space<semaphore_mem>>, %arg15: memref<!tpu.dma_semaphore, #tpu.memory_space<semaphore_mem>>, %arg16: memref<!tpu.dma_semaphore, #tpu.memory_space<semaphore_mem>>, %arg17: memref<!tpu.dma_semaphore, #tpu.memory_space<semaphore_mem>>, %arg18: memref<10240x128xf32, #tpu.memory_space<vmem_shared>>) attributes {dimension_semantics = [#tpu.dimension_semantics<core_parallel>, #tpu.dimension_semantics<subcore_parallel>], iteration_bounds = array<i64: 2, 16>, scalar_prefetch = 0 : i64, scratch_operands = 12 : i64, tpu.core_type = #tpu.core_type<sc_vector_subcore>, window_params = [{transform_indices = #map}, {transform_indices = #map1}, {transform_indices = #map1}, {transform_indices = #map}, {transform_indices = #map1}]} {
    %mul3A = arith.constant 16 : i32
    %mul3A_0 = arith.muli %arg0, %mul3A : i32
    %add3A = arith.addi %mul3A_0, %arg1 : i32
    "tpu.region"() ({
      %run_scoped3A_37 = tpu.sem_alloc : memref<!tpu.dma_semaphore, #tpu.memory_space<semaphore_mem>>
      tpu.enqueue_dma source(%arg5 : memref<128x128xf32, #tpu.memory_space<hbm>>) target(%arg10 : memref<128x128xf32, #tpu.memory_space<vmem>>) target_semaphore(%run_scoped3A_37 : memref<!tpu.dma_semaphore, #tpu.memory_space<semaphore_mem>>)
      tpu.wait_dma2 semaphore(%run_scoped3A_37 : memref<!tpu.dma_semaphore, #tpu.memory_space<semaphore_mem>>) src(%arg5 : memref<128x128xf32, #tpu.memory_space<hbm>>) dst(%arg10 : memref<128x128xf32, #tpu.memory_space<vmem>>)
      tpu.yield
    }) : () -> ()
    %mul3A_1 = arith.constant 640 : i32
    %mul3A_2 = arith.muli %arg1, %mul3A_1 : i32
    %add3A_3 = arith.constant 0 : i32
    %add3A_4 = arith.addi %mul3A_2, %add3A_3 : i32
    "tpu.region"() ({
      %run_scoped3A_37 = tpu.sem_alloc : memref<!tpu.dma_semaphore, #tpu.memory_space<semaphore_mem>>
      %dma_start3A_38 = arith.constant 0 : i32
      %dma_start3A_39 = tpu.memref_slice %arg18[%add3A_4, %dma_start3A_38] : memref<10240x128xf32, #tpu.memory_space<vmem_shared>> -> memref<128x128xf32, #tpu.memory_space<vmem_shared>>
      %dma_start3A_40 = arith.constant 0 : i32
      %dma_start3A_41 = tpu.memref_slice %arg18[%add3A_4, %dma_start3A_40] : memref<10240x128xf32, #tpu.memory_space<vmem_shared>> -> memref<128x128xf32, #tpu.memory_space<vmem_shared>>
      tpu.enqueue_dma source(%arg10 : memref<128x128xf32, #tpu.memory_space<vmem>>) target(%dma_start3A_41 : memref<128x128xf32, #tpu.memory_space<vmem_shared>>) target_semaphore(%run_scoped3A_37 : memref<!tpu.dma_semaphore, #tpu.memory_space<semaphore_mem>>)
      %dma_wait3A = arith.constant 0 : i32
      %dma_wait3A_42 = tpu.memref_slice %arg18[%add3A_4, %dma_wait3A] : memref<10240x128xf32, #tpu.memory_space<vmem_shared>> -> memref<128x128xf32, #tpu.memory_space<vmem_shared>>
      %dma_wait3A_43 = arith.constant 0 : i32
      %dma_wait3A_44 = tpu.memref_slice %arg18[%add3A_4, %dma_wait3A_43] : memref<10240x128xf32, #tpu.memory_space<vmem_shared>> -> memref<128x128xf32, #tpu.memory_space<vmem_shared>>
      tpu.wait_dma2 semaphore(%run_scoped3A_37 : memref<!tpu.dma_semaphore, #tpu.memory_space<semaphore_mem>>) src(%arg10 : memref<128x128xf32, #tpu.memory_space<vmem>>) dst(%dma_wait3A_44 : memref<128x128xf32, #tpu.memory_space<vmem_shared>>)
      tpu.yield
    }) : () -> ()
    %mul3A_5 = arith.constant 640 : i32
    %mul3A_6 = arith.muli %arg1, %mul3A_5 : i32
    %add3A_7 = arith.constant 128 : i32
    %add3A_8 = arith.addi %mul3A_6, %add3A_7 : i32
    "tpu.region"() ({
      %run_scoped3A_37 = tpu.sem_alloc : memref<!tpu.dma_semaphore, #tpu.memory_space<semaphore_mem>>
      %dma_start3A_38 = arith.constant 0 : i32
      %dma_start3A_39 = tpu.memref_slice %arg18[%add3A_8, %dma_start3A_38] : memref<10240x128xf32, #tpu.memory_space<vmem_shared>> -> memref<128x128xf32, #tpu.memory_space<vmem_shared>>
      %dma_start3A_40 = arith.constant 0 : i32
      %dma_start3A_41 = tpu.memref_slice %arg18[%add3A_8, %dma_start3A_40] : memref<10240x128xf32, #tpu.memory_space<vmem_shared>> -> memref<128x128xf32, #tpu.memory_space<vmem_shared>>
      tpu.enqueue_dma source(%arg10 : memref<128x128xf32, #tpu.memory_space<vmem>>) target(%dma_start3A_41 : memref<128x128xf32, #tpu.memory_space<vmem_shared>>) target_semaphore(%run_scoped3A_37 : memref<!tpu.dma_semaphore, #tpu.memory_space<semaphore_mem>>)
      %dma_wait3A = arith.constant 0 : i32
      %dma_wait3A_42 = tpu.memref_slice %arg18[%add3A_8, %dma_wait3A] : memref<10240x128xf32, #tpu.memory_space<vmem_shared>> -> memref<128x128xf32, #tpu.memory_space<vmem_shared>>
      %dma_wait3A_43 = arith.constant 0 : i32
      %dma_wait3A_44 = tpu.memref_slice %arg18[%add3A_8, %dma_wait3A_43] : memref<10240x128xf32, #tpu.memory_space<vmem_shared>> -> memref<128x128xf32, #tpu.memory_space<vmem_shared>>
      tpu.wait_dma2 semaphore(%run_scoped3A_37 : memref<!tpu.dma_semaphore, #tpu.memory_space<semaphore_mem>>) src(%arg10 : memref<128x128xf32, #tpu.memory_space<vmem>>) dst(%dma_wait3A_44 : memref<128x128xf32, #tpu.memory_space<vmem_shared>>)
      tpu.yield
    }) : () -> ()
    %mul3A_9 = arith.constant 640 : i32
    %mul3A_10 = arith.muli %arg1, %mul3A_9 : i32
    %add3A_11 = arith.constant 256 : i32
    %add3A_12 = arith.addi %mul3A_10, %add3A_11 : i32
    "tpu.region"() ({
      %run_scoped3A_37 = tpu.sem_alloc : memref<!tpu.dma_semaphore, #tpu.memory_space<semaphore_mem>>
      %dma_start3A_38 = arith.constant 0 : i32
      %dma_start3A_39 = tpu.memref_slice %arg18[%add3A_12, %dma_start3A_38] : memref<10240x128xf32, #tpu.memory_space<vmem_shared>> -> memref<128x128xf32, #tpu.memory_space<vmem_shared>>
      %dma_start3A_40 = arith.constant 0 : i32
      %dma_start3A_41 = tpu.memref_slice %arg18[%add3A_12, %dma_start3A_40] : memref<10240x128xf32, #tpu.memory_space<vmem_shared>> -> memref<128x128xf32, #tpu.memory_space<vmem_shared>>
      tpu.enqueue_dma source(%arg10 : memref<128x128xf32, #tpu.memory_space<vmem>>) target(%dma_start3A_41 : memref<128x128xf32, #tpu.memory_space<vmem_shared>>) target_semaphore(%run_scoped3A_37 : memref<!tpu.dma_semaphore, #tpu.memory_space<semaphore_mem>>)
      %dma_wait3A = arith.constant 0 : i32
      %dma_wait3A_42 = tpu.memref_slice %arg18[%add3A_12, %dma_wait3A] : memref<10240x128xf32, #tpu.memory_space<vmem_shared>> -> memref<128x128xf32, #tpu.memory_space<vmem_shared>>
      %dma_wait3A_43 = arith.constant 0 : i32
      %dma_wait3A_44 = tpu.memref_slice %arg18[%add3A_12, %dma_wait3A_43] : memref<10240x128xf32, #tpu.memory_space<vmem_shared>> -> memref<128x128xf32, #tpu.memory_space<vmem_shared>>
      tpu.wait_dma2 semaphore(%run_scoped3A_37 : memref<!tpu.dma_semaphore, #tpu.memory_space<semaphore_mem>>) src(%arg10 : memref<128x128xf32, #tpu.memory_space<vmem>>) dst(%dma_wait3A_44 : memref<128x128xf32, #tpu.memory_space<vmem_shared>>)
      tpu.yield
    }) : () -> ()
    %mul3A_13 = arith.constant 640 : i32
    %mul3A_14 = arith.muli %arg1, %mul3A_13 : i32
    %add3A_15 = arith.constant 384 : i32
    %add3A_16 = arith.addi %mul3A_14, %add3A_15 : i32
    "tpu.region"() ({
      %run_scoped3A_37 = tpu.sem_alloc : memref<!tpu.dma_semaphore, #tpu.memory_space<semaphore_mem>>
      %dma_start3A_38 = arith.constant 0 : i32
      %dma_start3A_39 = tpu.memref_slice %arg18[%add3A_16, %dma_start3A_38] : memref<10240x128xf32, #tpu.memory_space<vmem_shared>> -> memref<128x128xf32, #tpu.memory_space<vmem_shared>>
      %dma_start3A_40 = arith.constant 0 : i32
      %dma_start3A_41 = tpu.memref_slice %arg18[%add3A_16, %dma_start3A_40] : memref<10240x128xf32, #tpu.memory_space<vmem_shared>> -> memref<128x128xf32, #tpu.memory_space<vmem_shared>>
      tpu.enqueue_dma source(%arg10 : memref<128x128xf32, #tpu.memory_space<vmem>>) target(%dma_start3A_41 : memref<128x128xf32, #tpu.memory_space<vmem_shared>>) target_semaphore(%run_scoped3A_37 : memref<!tpu.dma_semaphore, #tpu.memory_space<semaphore_mem>>)
      %dma_wait3A = arith.constant 0 : i32
      %dma_wait3A_42 = tpu.memref_slice %arg18[%add3A_16, %dma_wait3A] : memref<10240x128xf32, #tpu.memory_space<vmem_shared>> -> memref<128x128xf32, #tpu.memory_space<vmem_shared>>
      %dma_wait3A_43 = arith.constant 0 : i32
      %dma_wait3A_44 = tpu.memref_slice %arg18[%add3A_16, %dma_wait3A_43] : memref<10240x128xf32, #tpu.memory_space<vmem_shared>> -> memref<128x128xf32, #tpu.memory_space<vmem_shared>>
      tpu.wait_dma2 semaphore(%run_scoped3A_37 : memref<!tpu.dma_semaphore, #tpu.memory_space<semaphore_mem>>) src(%arg10 : memref<128x128xf32, #tpu.memory_space<vmem>>) dst(%dma_wait3A_44 : memref<128x128xf32, #tpu.memory_space<vmem_shared>>)
      tpu.yield
    }) : () -> ()
    %mul3A_17 = arith.constant 640 : i32
    %mul3A_18 = arith.muli %arg1, %mul3A_17 : i32
    %add3A_19 = arith.constant 512 : i32
    %add3A_20 = arith.addi %mul3A_18, %add3A_19 : i32
    "tpu.region"() ({
      %run_scoped3A_37 = tpu.sem_alloc : memref<!tpu.dma_semaphore, #tpu.memory_space<semaphore_mem>>
      %dma_start3A_38 = arith.constant 0 : i32
      %dma_start3A_39 = tpu.memref_slice %arg18[%add3A_20, %dma_start3A_38] : memref<10240x128xf32, #tpu.memory_space<vmem_shared>> -> memref<128x128xf32, #tpu.memory_space<vmem_shared>>
      %dma_start3A_40 = arith.constant 0 : i32
      %dma_start3A_41 = tpu.memref_slice %arg18[%add3A_20, %dma_start3A_40] : memref<10240x128xf32, #tpu.memory_space<vmem_shared>> -> memref<128x128xf32, #tpu.memory_space<vmem_shared>>
      tpu.enqueue_dma source(%arg10 : memref<128x128xf32, #tpu.memory_space<vmem>>) target(%dma_start3A_41 : memref<128x128xf32, #tpu.memory_space<vmem_shared>>) target_semaphore(%run_scoped3A_37 : memref<!tpu.dma_semaphore, #tpu.memory_space<semaphore_mem>>)
      %dma_wait3A = arith.constant 0 : i32
      %dma_wait3A_42 = tpu.memref_slice %arg18[%add3A_20, %dma_wait3A] : memref<10240x128xf32, #tpu.memory_space<vmem_shared>> -> memref<128x128xf32, #tpu.memory_space<vmem_shared>>
      %dma_wait3A_43 = arith.constant 0 : i32
      %dma_wait3A_44 = tpu.memref_slice %arg18[%add3A_20, %dma_wait3A_43] : memref<10240x128xf32, #tpu.memory_space<vmem_shared>> -> memref<128x128xf32, #tpu.memory_space<vmem_shared>>
      tpu.wait_dma2 semaphore(%run_scoped3A_37 : memref<!tpu.dma_semaphore, #tpu.memory_space<semaphore_mem>>) src(%arg10 : memref<128x128xf32, #tpu.memory_space<vmem>>) dst(%dma_wait3A_44 : memref<128x128xf32, #tpu.memory_space<vmem_shared>>)
      tpu.yield
    }) : () -> ()
    "tpu.region"() ({
      %run_scoped3A_37 = tpu.sem_alloc : memref<!tpu.dma_semaphore, #tpu.memory_space<semaphore_mem>>
      %dma_start3A_38 = arith.constant 0 : i32
      %dma_start3A_39 = arith.constant 0 : i32
      %dma_start3A_40 = tpu.memref_slice %arg4[%add3A, %dma_start3A_38, %dma_start3A_39] : memref<32x80x128xi32, #tpu.memory_space<hbm>> -> memref<1x80x128xi32, #tpu.memory_space<hbm>>
      %dma_start3A_41 = tpu.memref_squeeze %dma_start3A_40 : memref<1x80x128xi32, #tpu.memory_space<hbm>> -> memref<80x128xi32, #tpu.memory_space<hbm>>
      %dma_start3A_42 = arith.constant 0 : i32
      %dma_start3A_43 = arith.constant 0 : i32
      %dma_start3A_44 = tpu.memref_slice %arg4[%add3A, %dma_start3A_42, %dma_start3A_43] : memref<32x80x128xi32, #tpu.memory_space<hbm>> -> memref<1x80x128xi32, #tpu.memory_space<hbm>>
      %dma_start3A_45 = tpu.memref_squeeze %dma_start3A_44 : memref<1x80x128xi32, #tpu.memory_space<hbm>> -> memref<80x128xi32, #tpu.memory_space<hbm>>
      tpu.enqueue_dma source(%dma_start3A_45 : memref<80x128xi32, #tpu.memory_space<hbm>>) target(%arg7 : memref<80x128xi32, #tpu.memory_space<vmem>>) target_semaphore(%run_scoped3A_37 : memref<!tpu.dma_semaphore, #tpu.memory_space<semaphore_mem>>)
      %dma_wait3A = arith.constant 0 : i32
      %dma_wait3A_46 = arith.constant 0 : i32
      %dma_wait3A_47 = tpu.memref_slice %arg4[%add3A, %dma_wait3A, %dma_wait3A_46] : memref<32x80x128xi32, #tpu.memory_space<hbm>> -> memref<1x80x128xi32, #tpu.memory_space<hbm>>
      %dma_wait3A_48 = tpu.memref_squeeze %dma_wait3A_47 : memref<1x80x128xi32, #tpu.memory_space<hbm>> -> memref<80x128xi32, #tpu.memory_space<hbm>>
      %dma_wait3A_49 = arith.constant 0 : i32
      %dma_wait3A_50 = arith.constant 0 : i32
      %dma_wait3A_51 = tpu.memref_slice %arg4[%add3A, %dma_wait3A_49, %dma_wait3A_50] : memref<32x80x128xi32, #tpu.memory_space<hbm>> -> memref<1x80x128xi32, #tpu.memory_space<hbm>>
      %dma_wait3A_52 = tpu.memref_squeeze %dma_wait3A_51 : memref<1x80x128xi32, #tpu.memory_space<hbm>> -> memref<80x128xi32, #tpu.memory_space<hbm>>
      tpu.wait_dma2 semaphore(%run_scoped3A_37 : memref<!tpu.dma_semaphore, #tpu.memory_space<semaphore_mem>>) src(%dma_wait3A_52 : memref<80x128xi32, #tpu.memory_space<hbm>>) dst(%arg7 : memref<80x128xi32, #tpu.memory_space<vmem>>)
      tpu.yield
    }) : () -> ()
    %barrier3A = arith.constant 0 : index
    tpu.barrier barrier_id(%barrier3A)
    %run_scoped3A = arith.constant 0 : i32
    "tpu.region"() ({
      %run_scoped3A_37 = tpu.sem_alloc : memref<!tpu.dma_semaphore, #tpu.memory_space<semaphore_mem>>
      %dma_start3A_38 = arith.constant 0 : i32
      %dma_start3A_39 = tpu.memref_slice %arg3[%add3A, %run_scoped3A, %dma_start3A_38] : memref<32x80x128xi32, #tpu.memory_space<hbm>> -> memref<1x1x128xi32, #tpu.memory_space<hbm>>
      %dma_start3A_40 = tpu.memref_squeeze %dma_start3A_39 : memref<1x1x128xi32, #tpu.memory_space<hbm>> -> memref<128xi32, #tpu.memory_space<hbm>>
      %dma_start3A_41 = arith.constant 0 : i32
      %dma_start3A_42 = tpu.memref_slice %arg3[%add3A, %run_scoped3A, %dma_start3A_41] : memref<32x80x128xi32, #tpu.memory_space<hbm>> -> memref<1x1x128xi32, #tpu.memory_space<hbm>>
      %dma_start3A_43 = tpu.memref_squeeze %dma_start3A_42 : memref<1x1x128xi32, #tpu.memory_space<hbm>> -> memref<128xi32, #tpu.memory_space<hbm>>
      tpu.enqueue_dma source(%dma_start3A_43 : memref<128xi32, #tpu.memory_space<hbm>>) target(%arg8 : memref<128xi32, #tpu.memory_space<vmem>>) target_semaphore(%run_scoped3A_37 : memref<!tpu.dma_semaphore, #tpu.memory_space<semaphore_mem>>)
      %dma_wait3A = arith.constant 0 : i32
      %dma_wait3A_44 = tpu.memref_slice %arg3[%add3A, %run_scoped3A, %dma_wait3A] : memref<32x80x128xi32, #tpu.memory_space<hbm>> -> memref<1x1x128xi32, #tpu.memory_space<hbm>>
      %dma_wait3A_45 = tpu.memref_squeeze %dma_wait3A_44 : memref<1x1x128xi32, #tpu.memory_space<hbm>> -> memref<128xi32, #tpu.memory_space<hbm>>
      %dma_wait3A_46 = arith.constant 0 : i32
      %dma_wait3A_47 = tpu.memref_slice %arg3[%add3A, %run_scoped3A, %dma_wait3A_46] : memref<32x80x128xi32, #tpu.memory_space<hbm>> -> memref<1x1x128xi32, #tpu.memory_space<hbm>>
      %dma_wait3A_48 = tpu.memref_squeeze %dma_wait3A_47 : memref<1x1x128xi32, #tpu.memory_space<hbm>> -> memref<128xi32, #tpu.memory_space<hbm>>
      tpu.wait_dma2 semaphore(%run_scoped3A_37 : memref<!tpu.dma_semaphore, #tpu.memory_space<semaphore_mem>>) src(%dma_wait3A_48 : memref<128xi32, #tpu.memory_space<hbm>>) dst(%arg8 : memref<128xi32, #tpu.memory_space<vmem>>)
      tpu.yield
    }) : () -> ()
    %dma_start3A = arith.constant 0 : i32
    %dma_start3A_21 = arith.constant 0 : i32
    %dma_start3A_22 = tpu.memref_slice %arg2[%dma_start3A, %dma_start3A_21] : memref<10240x128xf32, #tpu.memory_space<hbm>> -> memref<10240x128xf32, #tpu.memory_space<hbm>>
    tpu.enqueue_indirect_dma source(%dma_start3A_22 : memref<10240x128xf32, #tpu.memory_space<hbm>>) target(%arg10 : memref<128x128xf32, #tpu.memory_space<vmem>>) offsets(%arg8 : memref<128xi32, #tpu.memory_space<vmem>>) semaphore(%arg12 : memref<!tpu.dma_semaphore, #tpu.memory_space<semaphore_mem>>)
    %run_scoped3A_23 = arith.constant 1 : i32
    "tpu.region"() ({
      %run_scoped3A_37 = tpu.sem_alloc : memref<!tpu.dma_semaphore, #tpu.memory_space<semaphore_mem>>
      %dma_start3A_38 = arith.constant 0 : i32
      %dma_start3A_39 = tpu.memref_slice %arg3[%add3A, %run_scoped3A_23, %dma_start3A_38] : memref<32x80x128xi32, #tpu.memory_space<hbm>> -> memref<1x1x128xi32, #tpu.memory_space<hbm>>
      %dma_start3A_40 = tpu.memref_squeeze %dma_start3A_39 : memref<1x1x128xi32, #tpu.memory_space<hbm>> -> memref<128xi32, #tpu.memory_space<hbm>>
      %dma_start3A_41 = arith.constant 0 : i32
      %dma_start3A_42 = tpu.memref_slice %arg3[%add3A, %run_scoped3A_23, %dma_start3A_41] : memref<32x80x128xi32, #tpu.memory_space<hbm>> -> memref<1x1x128xi32, #tpu.memory_space<hbm>>
      %dma_start3A_43 = tpu.memref_squeeze %dma_start3A_42 : memref<1x1x128xi32, #tpu.memory_space<hbm>> -> memref<128xi32, #tpu.memory_space<hbm>>
      tpu.enqueue_dma source(%dma_start3A_43 : memref<128xi32, #tpu.memory_space<hbm>>) target(%arg9 : memref<128xi32, #tpu.memory_space<vmem>>) target_semaphore(%run_scoped3A_37 : memref<!tpu.dma_semaphore, #tpu.memory_space<semaphore_mem>>)
      %dma_wait3A = arith.constant 0 : i32
      %dma_wait3A_44 = tpu.memref_slice %arg3[%add3A, %run_scoped3A_23, %dma_wait3A] : memref<32x80x128xi32, #tpu.memory_space<hbm>> -> memref<1x1x128xi32, #tpu.memory_space<hbm>>
      %dma_wait3A_45 = tpu.memref_squeeze %dma_wait3A_44 : memref<1x1x128xi32, #tpu.memory_space<hbm>> -> memref<128xi32, #tpu.memory_space<hbm>>
      %dma_wait3A_46 = arith.constant 0 : i32
      %dma_wait3A_47 = tpu.memref_slice %arg3[%add3A, %run_scoped3A_23, %dma_wait3A_46] : memref<32x80x128xi32, #tpu.memory_space<hbm>> -> memref<1x1x128xi32, #tpu.memory_space<hbm>>
      %dma_wait3A_48 = tpu.memref_squeeze %dma_wait3A_47 : memref<1x1x128xi32, #tpu.memory_space<hbm>> -> memref<128xi32, #tpu.memory_space<hbm>>
      tpu.wait_dma2 semaphore(%run_scoped3A_37 : memref<!tpu.dma_semaphore, #tpu.memory_space<semaphore_mem>>) src(%dma_wait3A_48 : memref<128xi32, #tpu.memory_space<hbm>>) dst(%arg9 : memref<128xi32, #tpu.memory_space<vmem>>)
      tpu.yield
    }) : () -> ()
    %dma_start3A_24 = arith.constant 0 : i32
    %dma_start3A_25 = arith.constant 0 : i32
    %dma_start3A_26 = tpu.memref_slice %arg2[%dma_start3A_24, %dma_start3A_25] : memref<10240x128xf32, #tpu.memory_space<hbm>> -> memref<10240x128xf32, #tpu.memory_space<hbm>>
    tpu.enqueue_indirect_dma source(%dma_start3A_26 : memref<10240x128xf32, #tpu.memory_space<hbm>>) target(%arg11 : memref<128x128xf32, #tpu.memory_space<vmem>>) offsets(%arg9 : memref<128xi32, #tpu.memory_space<vmem>>) semaphore(%arg13 : memref<!tpu.dma_semaphore, #tpu.memory_space<semaphore_mem>>)
    %scan3A = arith.constant 0 : i32
    %scan3A_27 = arith.constant 0 : i32
    %scan3A_28 = arith.constant 40 : i32
    %scan3A_29 = arith.addi %scan3A_27, %scan3A_28 : i32
    %scan3A_30 = arith.constant 1 : i32
    scf.for %scan3A_37 = %scan3A_27 to %scan3A_29 step %scan3A_30  : i32 {
      %mul3A_38 = arith.constant 2 : i32
      %mul3A_39 = arith.muli %scan3A_37, %mul3A_38 : i32
      %add3A_40 = arith.constant 0 : i32
      %add3A_41 = arith.addi %mul3A_39, %add3A_40 : i32
      %dma_wait3A = arith.constant 0 : i32
      %dma_wait3A_42 = arith.constant 0 : i32
      %dma_wait3A_43 = tpu.memref_slice %arg2[%dma_wait3A, %dma_wait3A_42] : memref<10240x128xf32, #tpu.memory_space<hbm>> -> memref<10240x128xf32, #tpu.memory_space<hbm>>
      tpu.wait_indirect_dma semaphore(%arg12 : memref<!tpu.dma_semaphore, #tpu.memory_space<semaphore_mem>>) src(%dma_wait3A_43 : memref<10240x128xf32, #tpu.memory_space<hbm>>) dst(%arg10 : memref<128x128xf32, #tpu.memory_space<vmem>>)
      %dma_start3A_44 = arith.constant 0 : i32
      %dma_start3A_45 = tpu.memref_slice %arg7[%add3A_41, %dma_start3A_44] : memref<80x128xi32, #tpu.memory_space<vmem>> -> memref<1x128xi32, #tpu.memory_space<vmem>>
      %dma_start3A_46 = tpu.memref_squeeze %dma_start3A_45 : memref<1x128xi32, #tpu.memory_space<vmem>> -> memref<128xi32, #tpu.memory_space<vmem>>
      %dma_start3A_47 = arith.constant 0 : i32
      %dma_start3A_48 = arith.constant 0 : i32
      %dma_start3A_49 = tpu.memref_slice %arg18[%dma_start3A_47, %dma_start3A_48] : memref<10240x128xf32, #tpu.memory_space<vmem_shared>> -> memref<10240x128xf32, #tpu.memory_space<vmem_shared>>
      tpu.enqueue_indirect_dma source(%arg10 : memref<128x128xf32, #tpu.memory_space<vmem>>) target(%dma_start3A_49 : memref<10240x128xf32, #tpu.memory_space<vmem_shared>>) offsets(%dma_start3A_46 : memref<128xi32, #tpu.memory_space<vmem>>) semaphore(%arg14 : memref<!tpu.dma_semaphore, #tpu.memory_space<semaphore_mem>>) {add = true}
      %add3A_50 = arith.constant 2 : i32
      %add3A_51 = arith.addi %add3A_41, %add3A_50 : i32
      %lt3A = arith.constant 80 : i32
      %lt3A_52 = arith.cmpi slt, %add3A_51, %lt3A : i32
      %convert_element_type3A = arith.extui %lt3A_52 : i1 to i32
      %cond3A = arith.constant 0 : i32
      %cond3A_53 = arith.cmpi ne, %convert_element_type3A, %cond3A : i32
      scf.if %cond3A_53 {
        %add3A_100 = arith.constant 2 : i32
        %add3A_101 = arith.addi %add3A_41, %add3A_100 : i32
        %dma_start3A_102 = arith.constant 0 : i32
        %dma_start3A_103 = tpu.memref_slice %arg3[%add3A, %add3A_101, %dma_start3A_102] : memref<32x80x128xi32, #tpu.memory_space<hbm>> -> memref<1x1x128xi32, #tpu.memory_space<hbm>>
        %dma_start3A_104 = tpu.memref_squeeze %dma_start3A_103 : memref<1x1x128xi32, #tpu.memory_space<hbm>> -> memref<128xi32, #tpu.memory_space<hbm>>
        %dma_start3A_105 = arith.constant 0 : i32
        %dma_start3A_106 = tpu.memref_slice %arg3[%add3A, %add3A_101, %dma_start3A_105] : memref<32x80x128xi32, #tpu.memory_space<hbm>> -> memref<1x1x128xi32, #tpu.memory_space<hbm>>
        %dma_start3A_107 = tpu.memref_squeeze %dma_start3A_106 : memref<1x1x128xi32, #tpu.memory_space<hbm>> -> memref<128xi32, #tpu.memory_space<hbm>>
        tpu.enqueue_dma source(%dma_start3A_107 : memref<128xi32, #tpu.memory_space<hbm>>) target(%arg8 : memref<128xi32, #tpu.memory_space<vmem>>) target_semaphore(%arg16 : memref<!tpu.dma_semaphore, #tpu.memory_space<semaphore_mem>>)
      } else {
      }
      %dma_wait3A_54 = arith.constant 0 : i32
      %dma_wait3A_55 = tpu.memref_slice %arg7[%add3A_41, %dma_wait3A_54] : memref<80x128xi32, #tpu.memory_space<vmem>> -> memref<1x128xi32, #tpu.memory_space<vmem>>
      %dma_wait3A_56 = tpu.memref_squeeze %dma_wait3A_55 : memref<1x128xi32, #tpu.memory_space<vmem>> -> memref<128xi32, #tpu.memory_space<vmem>>
      %dma_wait3A_57 = arith.constant 0 : i32
      %dma_wait3A_58 = arith.constant 0 : i32
      %dma_wait3A_59 = tpu.memref_slice %arg18[%dma_wait3A_57, %dma_wait3A_58] : memref<10240x128xf32, #tpu.memory_space<vmem_shared>> -> memref<10240x128xf32, #tpu.memory_space<vmem_shared>>
      tpu.wait_indirect_dma semaphore(%arg14 : memref<!tpu.dma_semaphore, #tpu.memory_space<semaphore_mem>>) src(%arg10 : memref<128x128xf32, #tpu.memory_space<vmem>>) dst(%dma_wait3A_59 : memref<10240x128xf32, #tpu.memory_space<vmem_shared>>)
      %add3A_60 = arith.constant 2 : i32
      %add3A_61 = arith.addi %add3A_41, %add3A_60 : i32
      %lt3A_62 = arith.constant 80 : i32
      %lt3A_63 = arith.cmpi slt, %add3A_61, %lt3A_62 : i32
      %convert_element_type3A_64 = arith.extui %lt3A_63 : i1 to i32
      %cond3A_65 = arith.constant 0 : i32
      %cond3A_66 = arith.cmpi ne, %convert_element_type3A_64, %cond3A_65 : i32
      scf.if %cond3A_66 {
        %add3A_100 = arith.constant 2 : i32
        %add3A_101 = arith.addi %add3A_41, %add3A_100 : i32
        %dma_wait3A_102 = arith.constant 0 : i32
        %dma_wait3A_103 = tpu.memref_slice %arg3[%add3A, %add3A_101, %dma_wait3A_102] : memref<32x80x128xi32, #tpu.memory_space<hbm>> -> memref<1x1x128xi32, #tpu.memory_space<hbm>>
        %dma_wait3A_104 = tpu.memref_squeeze %dma_wait3A_103 : memref<1x1x128xi32, #tpu.memory_space<hbm>> -> memref<128xi32, #tpu.memory_space<hbm>>
        %dma_wait3A_105 = arith.constant 0 : i32
        %dma_wait3A_106 = tpu.memref_slice %arg3[%add3A, %add3A_101, %dma_wait3A_105] : memref<32x80x128xi32, #tpu.memory_space<hbm>> -> memref<1x1x128xi32, #tpu.memory_space<hbm>>
        %dma_wait3A_107 = tpu.memref_squeeze %dma_wait3A_106 : memref<1x1x128xi32, #tpu.memory_space<hbm>> -> memref<128xi32, #tpu.memory_space<hbm>>
        tpu.wait_dma2 semaphore(%arg16 : memref<!tpu.dma_semaphore, #tpu.memory_space<semaphore_mem>>) src(%dma_wait3A_107 : memref<128xi32, #tpu.memory_space<hbm>>) dst(%arg8 : memref<128xi32, #tpu.memory_space<vmem>>)
        %dma_start3A_108 = arith.constant 0 : i32
        %dma_start3A_109 = arith.constant 0 : i32
        %dma_start3A_110 = tpu.memref_slice %arg2[%dma_start3A_108, %dma_start3A_109] : memref<10240x128xf32, #tpu.memory_space<hbm>> -> memref<10240x128xf32, #tpu.memory_space<hbm>>
        tpu.enqueue_indirect_dma source(%dma_start3A_110 : memref<10240x128xf32, #tpu.memory_space<hbm>>) target(%arg10 : memref<128x128xf32, #tpu.memory_space<vmem>>) offsets(%arg8 : memref<128xi32, #tpu.memory_space<vmem>>) semaphore(%arg12 : memref<!tpu.dma_semaphore, #tpu.memory_space<semaphore_mem>>)
      } else {
      }
      %mul3A_67 = arith.constant 2 : i32
      %mul3A_68 = arith.muli %scan3A_37, %mul3A_67 : i32
      %add3A_69 = arith.constant 1 : i32
      %add3A_70 = arith.addi %mul3A_68, %add3A_69 : i32
      %dma_wait3A_71 = arith.constant 0 : i32
      %dma_wait3A_72 = arith.constant 0 : i32
      %dma_wait3A_73 = tpu.memref_slice %arg2[%dma_wait3A_71, %dma_wait3A_72] : memref<10240x128xf32, #tpu.memory_space<hbm>> -> memref<10240x128xf32, #tpu.memory_space<hbm>>
      tpu.wait_indirect_dma semaphore(%arg13 : memref<!tpu.dma_semaphore, #tpu.memory_space<semaphore_mem>>) src(%dma_wait3A_73 : memref<10240x128xf32, #tpu.memory_space<hbm>>) dst(%arg11 : memref<128x128xf32, #tpu.memory_space<vmem>>)
      %dma_start3A_74 = arith.constant 0 : i32
      %dma_start3A_75 = tpu.memref_slice %arg7[%add3A_70, %dma_start3A_74] : memref<80x128xi32, #tpu.memory_space<vmem>> -> memref<1x128xi32, #tpu.memory_space<vmem>>
      %dma_start3A_76 = tpu.memref_squeeze %dma_start3A_75 : memref<1x128xi32, #tpu.memory_space<vmem>> -> memref<128xi32, #tpu.memory_space<vmem>>
      %dma_start3A_77 = arith.constant 0 : i32
      %dma_start3A_78 = arith.constant 0 : i32
      %dma_start3A_79 = tpu.memref_slice %arg18[%dma_start3A_77, %dma_start3A_78] : memref<10240x128xf32, #tpu.memory_space<vmem_shared>> -> memref<10240x128xf32, #tpu.memory_space<vmem_shared>>
      tpu.enqueue_indirect_dma source(%arg11 : memref<128x128xf32, #tpu.memory_space<vmem>>) target(%dma_start3A_79 : memref<10240x128xf32, #tpu.memory_space<vmem_shared>>) offsets(%dma_start3A_76 : memref<128xi32, #tpu.memory_space<vmem>>) semaphore(%arg15 : memref<!tpu.dma_semaphore, #tpu.memory_space<semaphore_mem>>) {add = true}
      %add3A_80 = arith.constant 2 : i32
      %add3A_81 = arith.addi %add3A_70, %add3A_80 : i32
      %lt3A_82 = arith.constant 80 : i32
      %lt3A_83 = arith.cmpi slt, %add3A_81, %lt3A_82 : i32
      %convert_element_type3A_84 = arith.extui %lt3A_83 : i1 to i32
      %cond3A_85 = arith.constant 0 : i32
      %cond3A_86 = arith.cmpi ne, %convert_element_type3A_84, %cond3A_85 : i32
      scf.if %cond3A_86 {
        %add3A_100 = arith.constant 2 : i32
        %add3A_101 = arith.addi %add3A_70, %add3A_100 : i32
        %dma_start3A_102 = arith.constant 0 : i32
        %dma_start3A_103 = tpu.memref_slice %arg3[%add3A, %add3A_101, %dma_start3A_102] : memref<32x80x128xi32, #tpu.memory_space<hbm>> -> memref<1x1x128xi32, #tpu.memory_space<hbm>>
        %dma_start3A_104 = tpu.memref_squeeze %dma_start3A_103 : memref<1x1x128xi32, #tpu.memory_space<hbm>> -> memref<128xi32, #tpu.memory_space<hbm>>
        %dma_start3A_105 = arith.constant 0 : i32
        %dma_start3A_106 = tpu.memref_slice %arg3[%add3A, %add3A_101, %dma_start3A_105] : memref<32x80x128xi32, #tpu.memory_space<hbm>> -> memref<1x1x128xi32, #tpu.memory_space<hbm>>
        %dma_start3A_107 = tpu.memref_squeeze %dma_start3A_106 : memref<1x1x128xi32, #tpu.memory_space<hbm>> -> memref<128xi32, #tpu.memory_space<hbm>>
        tpu.enqueue_dma source(%dma_start3A_107 : memref<128xi32, #tpu.memory_space<hbm>>) target(%arg9 : memref<128xi32, #tpu.memory_space<vmem>>) target_semaphore(%arg17 : memref<!tpu.dma_semaphore, #tpu.memory_space<semaphore_mem>>)
      } else {
      }
      %dma_wait3A_87 = arith.constant 0 : i32
      %dma_wait3A_88 = tpu.memref_slice %arg7[%add3A_70, %dma_wait3A_87] : memref<80x128xi32, #tpu.memory_space<vmem>> -> memref<1x128xi32, #tpu.memory_space<vmem>>
      %dma_wait3A_89 = tpu.memref_squeeze %dma_wait3A_88 : memref<1x128xi32, #tpu.memory_space<vmem>> -> memref<128xi32, #tpu.memory_space<vmem>>
      %dma_wait3A_90 = arith.constant 0 : i32
      %dma_wait3A_91 = arith.constant 0 : i32
      %dma_wait3A_92 = tpu.memref_slice %arg18[%dma_wait3A_90, %dma_wait3A_91] : memref<10240x128xf32, #tpu.memory_space<vmem_shared>> -> memref<10240x128xf32, #tpu.memory_space<vmem_shared>>
      tpu.wait_indirect_dma semaphore(%arg15 : memref<!tpu.dma_semaphore, #tpu.memory_space<semaphore_mem>>) src(%arg11 : memref<128x128xf32, #tpu.memory_space<vmem>>) dst(%dma_wait3A_92 : memref<10240x128xf32, #tpu.memory_space<vmem_shared>>)
      %add3A_93 = arith.constant 2 : i32
      %add3A_94 = arith.addi %add3A_70, %add3A_93 : i32
      %lt3A_95 = arith.constant 80 : i32
      %lt3A_96 = arith.cmpi slt, %add3A_94, %lt3A_95 : i32
      %convert_element_type3A_97 = arith.extui %lt3A_96 : i1 to i32
      %cond3A_98 = arith.constant 0 : i32
      %cond3A_99 = arith.cmpi ne, %convert_element_type3A_97, %cond3A_98 : i32
      scf.if %cond3A_99 {
        %add3A_100 = arith.constant 2 : i32
        %add3A_101 = arith.addi %add3A_70, %add3A_100 : i32
        %dma_wait3A_102 = arith.constant 0 : i32
        %dma_wait3A_103 = tpu.memref_slice %arg3[%add3A, %add3A_101, %dma_wait3A_102] : memref<32x80x128xi32, #tpu.memory_space<hbm>> -> memref<1x1x128xi32, #tpu.memory_space<hbm>>
        %dma_wait3A_104 = tpu.memref_squeeze %dma_wait3A_103 : memref<1x1x128xi32, #tpu.memory_space<hbm>> -> memref<128xi32, #tpu.memory_space<hbm>>
        %dma_wait3A_105 = arith.constant 0 : i32
        %dma_wait3A_106 = tpu.memref_slice %arg3[%add3A, %add3A_101, %dma_wait3A_105] : memref<32x80x128xi32, #tpu.memory_space<hbm>> -> memref<1x1x128xi32, #tpu.memory_space<hbm>>
        %dma_wait3A_107 = tpu.memref_squeeze %dma_wait3A_106 : memref<1x1x128xi32, #tpu.memory_space<hbm>> -> memref<128xi32, #tpu.memory_space<hbm>>
        tpu.wait_dma2 semaphore(%arg17 : memref<!tpu.dma_semaphore, #tpu.memory_space<semaphore_mem>>) src(%dma_wait3A_107 : memref<128xi32, #tpu.memory_space<hbm>>) dst(%arg9 : memref<128xi32, #tpu.memory_space<vmem>>)
        %dma_start3A_108 = arith.constant 0 : i32
        %dma_start3A_109 = arith.constant 0 : i32
        %dma_start3A_110 = tpu.memref_slice %arg2[%dma_start3A_108, %dma_start3A_109] : memref<10240x128xf32, #tpu.memory_space<hbm>> -> memref<10240x128xf32, #tpu.memory_space<hbm>>
        tpu.enqueue_indirect_dma source(%dma_start3A_110 : memref<10240x128xf32, #tpu.memory_space<hbm>>) target(%arg11 : memref<128x128xf32, #tpu.memory_space<vmem>>) offsets(%arg9 : memref<128xi32, #tpu.memory_space<vmem>>) semaphore(%arg13 : memref<!tpu.dma_semaphore, #tpu.memory_space<semaphore_mem>>)
      } else {
      }
    }
    %scan3A_31 = arith.constant 40 : i32
    %barrier3A_32 = arith.constant 0 : index
    tpu.barrier barrier_id(%barrier3A_32)
    %mul3A_33 = arith.constant 640 : i32
    %mul3A_34 = arith.muli %arg1, %mul3A_33 : i32
    %mul3A_35 = arith.constant 640 : i32
    %mul3A_36 = arith.muli %arg1, %mul3A_35 : i32
    "tpu.region"() ({
      %run_scoped3A_37 = tpu.sem_alloc : memref<!tpu.dma_semaphore, #tpu.memory_space<semaphore_mem>>
      %dma_start3A_38 = arith.constant 0 : i32
      %dma_start3A_39 = tpu.memref_slice %arg6[%arg0, %mul3A_36, %dma_start3A_38] : memref<2x10240x128xf32, #tpu.memory_space<hbm>> -> memref<1x640x128xf32, #tpu.memory_space<hbm>>
      %dma_start3A_40 = tpu.memref_squeeze %dma_start3A_39 : memref<1x640x128xf32, #tpu.memory_space<hbm>> -> memref<640x128xf32, #tpu.memory_space<hbm>>
      %dma_start3A_41 = arith.constant 0 : i32
      %dma_start3A_42 = tpu.memref_slice %arg18[%mul3A_34, %dma_start3A_41] : memref<10240x128xf32, #tpu.memory_space<vmem_shared>> -> memref<640x128xf32, #tpu.memory_space<vmem_shared>>
      tpu.enqueue_dma source(%dma_start3A_42 : memref<640x128xf32, #tpu.memory_space<vmem_shared>>) target(%dma_start3A_40 : memref<640x128xf32, #tpu.memory_space<hbm>>) target_semaphore(%run_scoped3A_37 : memref<!tpu.dma_semaphore, #tpu.memory_space<semaphore_mem>>)
      %dma_wait3A = arith.constant 0 : i32
      %dma_wait3A_43 = tpu.memref_slice %arg6[%arg0, %mul3A_36, %dma_wait3A] : memref<2x10240x128xf32, #tpu.memory_space<hbm>> -> memref<1x640x128xf32, #tpu.memory_space<hbm>>
      %dma_wait3A_44 = tpu.memref_squeeze %dma_wait3A_43 : memref<1x640x128xf32, #tpu.memory_space<hbm>> -> memref<640x128xf32, #tpu.memory_space<hbm>>
      %dma_wait3A_45 = arith.constant 0 : i32
      %dma_wait3A_46 = tpu.memref_slice %arg18[%mul3A_34, %dma_wait3A_45] : memref<10240x128xf32, #tpu.memory_space<vmem_shared>> -> memref<640x128xf32, #tpu.memory_space<vmem_shared>>
      tpu.wait_dma2 semaphore(%run_scoped3A_37 : memref<!tpu.dma_semaphore, #tpu.memory_space<semaphore_mem>>) src(%dma_wait3A_46 : memref<640x128xf32, #tpu.memory_space<vmem_shared>>) dst(%dma_wait3A_44 : memref<640x128xf32, #tpu.memory_space<hbm>>)
      tpu.yield
    }) : () -> ()
    return
  }
}

module attributes {stable_mosaic.version = 14 : i64} {
  func.func @_tc_dense_body(%arg0: i32, %arg1: memref<2x512x128xf32, #tpu.memory_space<vmem>>, %arg2: memref<2x512x128xf32, #tpu.memory_space<vmem>>, %arg3: memref<512x128xf32, #tpu.memory_space<vmem>>, %arg4: memref<128x128xf32, #tpu.memory_space<vmem>>, %arg5: memref<1x128xf32, #tpu.memory_space<vmem>>, %arg6: memref<128x128xf32, #tpu.memory_space<vmem>>, %arg7: memref<512x128xf32, #tpu.memory_space<vmem>>) attributes {dimension_semantics = [#tpu.dimension_semantics<arbitrary>], iteration_bounds = array<i64: 20>, scalar_prefetch = 0 : i64, scratch_operands = 0 : i64, tpu.core_type = #tpu.core_type<tc>, window_params = [{transform_indices = @transform_0, window_bounds = array<i64: 2, 512, 128>}, {transform_indices = @transform_1, window_bounds = array<i64: 2, 512, 128>}, {transform_indices = @transform_2, window_bounds = array<i64: 512, 128>}, {pipeline_mode = #tpu.pipeline_mode<synchronous>, transform_indices = @transform_3, window_bounds = array<i64: 128, 128>}, {pipeline_mode = #tpu.pipeline_mode<synchronous>, transform_indices = @transform_4, window_bounds = array<i64: 1, 128>}, {pipeline_mode = #tpu.pipeline_mode<synchronous>, transform_indices = @transform_5, window_bounds = array<i64: 128, 128>}, {transform_indices = @transform_6, window_bounds = array<i64: 512, 128>}]} {
    %get3A = arith.constant 0 : index
    %get3A_0 = arith.constant 0 : index
    %get3A_1 = arith.constant 0 : index
    %get3A_2 = vector.load %arg1[%get3A, %get3A_0, %get3A_1] : memref<2x512x128xf32, #tpu.memory_space<vmem>>, vector<1x512x128xf32>
    %get3A_3 = vector.shape_cast %get3A_2 : vector<1x512x128xf32> to vector<512x128xf32>
    %get3A_4 = arith.constant 1 : index
    %get3A_5 = arith.constant 0 : index
    %get3A_6 = arith.constant 0 : index
    %get3A_7 = vector.load %arg1[%get3A_4, %get3A_5, %get3A_6] : memref<2x512x128xf32, #tpu.memory_space<vmem>>, vector<1x512x128xf32>
    %get3A_8 = vector.shape_cast %get3A_7 : vector<1x512x128xf32> to vector<512x128xf32>
    %add3A = arith.addf %get3A_3, %get3A_8 : vector<512x128xf32>
    %get3A_9 = arith.constant 0 : index
    %get3A_10 = arith.constant 0 : index
    %get3A_11 = arith.constant 0 : index
    %get3A_12 = vector.load %arg2[%get3A_9, %get3A_10, %get3A_11] : memref<2x512x128xf32, #tpu.memory_space<vmem>>, vector<1x512x1xf32>
    %get3A_13 = vector.shape_cast %get3A_12 : vector<1x512x1xf32> to vector<512x1xf32>
    %get3A_14 = arith.constant 1 : index
    %get3A_15 = arith.constant 0 : index
    %get3A_16 = arith.constant 0 : index
    %get3A_17 = vector.load %arg2[%get3A_14, %get3A_15, %get3A_16] : memref<2x512x128xf32, #tpu.memory_space<vmem>>, vector<1x512x1xf32>
    %get3A_18 = vector.shape_cast %get3A_17 : vector<1x512x1xf32> to vector<512x1xf32>
    %add3A_19 = arith.addf %get3A_13, %get3A_18 : vector<512x1xf32>
    %max3A = arith.constant 1.000000e+00 : f32
    %max3A_20 = vector.broadcast %max3A : f32 to vector<512x1xf32>
    %max3A_21 = arith.maximumf %add3A_19, %max3A_20 : vector<512x1xf32>
    %div3A = arith.constant 1.000000e+00 : f32
    %div3A_22 = vector.broadcast %div3A : f32 to vector<512x1xf32>
    %div3A_23 = arith.divf %div3A_22, %max3A_21 : vector<512x1xf32>
    %mul3A = vector.broadcast %div3A_23 : vector<512x1xf32> to vector<512x128xf32>
    %mul3A_24 = arith.mulf %add3A, %mul3A : vector<512x128xf32>
    %get3A_25 = arith.constant 0 : index
    %get3A_26 = arith.constant 0 : index
    %get3A_27 = vector.load %arg4[%get3A_25, %get3A_26] : memref<128x128xf32, #tpu.memory_space<vmem>>, vector<128x128xf32>
    %dot_general3A = arith.constant dense<0.000000e+00> : vector<512x128xf32>
    %dot_general3A_28 = tpu.matmul %mul3A_24, %get3A_27, %dot_general3A {dimension_numbers = #tpu.dot_dimension_numbers<[1], [0], [0], [1], [0, 0, 1, 1], [], []>, transpose_lhs_hint = false} : vector<512x128xf32>, vector<128x128xf32>, vector<512x128xf32> -> vector<512x128xf32>
    %get3A_29 = arith.constant 0 : index
    %get3A_30 = arith.constant 0 : index
    %get3A_31 = vector.load %arg5[%get3A_29, %get3A_30] : memref<1x128xf32, #tpu.memory_space<vmem>>, vector<1x128xf32>
    %add3A_32 = vector.broadcast %get3A_31 : vector<1x128xf32> to vector<512x128xf32>
    %add3A_33 = arith.addf %dot_general3A_28, %add3A_32 : vector<512x128xf32>
    %get3A_34 = arith.constant 0 : index
    %get3A_35 = arith.constant 0 : index
    %get3A_36 = vector.load %arg3[%get3A_34, %get3A_35] : memref<512x128xf32, #tpu.memory_space<vmem>>, vector<512x128xf32>
    %get3A_37 = arith.constant 0 : index
    %get3A_38 = arith.constant 0 : index
    %get3A_39 = vector.load %arg6[%get3A_37, %get3A_38] : memref<128x128xf32, #tpu.memory_space<vmem>>, vector<128x128xf32>
    %dot_general3A_40 = arith.constant dense<0.000000e+00> : vector<512x128xf32>
    %dot_general3A_41 = tpu.matmul %get3A_36, %get3A_39, %dot_general3A_40 {dimension_numbers = #tpu.dot_dimension_numbers<[1], [0], [0], [1], [0, 0, 1, 1], [], []>, transpose_lhs_hint = false} : vector<512x128xf32>, vector<128x128xf32>, vector<512x128xf32> -> vector<512x128xf32>
    %add3A_42 = arith.addf %add3A_33, %dot_general3A_41 : vector<512x128xf32>
    %max3A_43 = arith.constant 0.000000e+00 : f32
    %max3A_44 = vector.broadcast %max3A_43 : f32 to vector<512x128xf32>
    %max3A_45 = arith.maximumf %add3A_42, %max3A_44 : vector<512x128xf32>
    %swap3A = arith.constant 0 : index
    %swap3A_46 = arith.constant 0 : index
    %swap3A_47 = vector.load %arg7[%swap3A, %swap3A_46] : memref<512x128xf32, #tpu.memory_space<vmem>>, vector<512x128xf32>
    tpu.vector_store %arg7[%swap3A, %swap3A_46], %max3A_45 {strides = array<i32>} : memref<512x128xf32, #tpu.memory_space<vmem>>, vector<512x128xf32>,
    return
  }
  func.func @transform_0(%arg0: i32) -> (i32, i32, i32) {
    %c0_i32 = arith.constant 0 : i32
    %c0_i32_0 = arith.constant 0 : i32
    %c0_i32_1 = arith.constant 0 : i32
    return %c0_i32, %arg0, %c0_i32_0 : i32, i32, i32
  }
  func.func @transform_1(%arg0: i32) -> (i32, i32, i32) {
    %c0_i32 = arith.constant 0 : i32
    %c0_i32_0 = arith.constant 0 : i32
    %c0_i32_1 = arith.constant 0 : i32
    return %c0_i32, %arg0, %c0_i32_0 : i32, i32, i32
  }
  func.func @transform_2(%arg0: i32) -> (i32, i32) {
    %c0_i32 = arith.constant 0 : i32
    %c0_i32_0 = arith.constant 0 : i32
    return %arg0, %c0_i32 : i32, i32
  }
  func.func @transform_3(%arg0: i32) -> (i32, i32) {
    %c0_i32 = arith.constant 0 : i32
    %c0_i32_0 = arith.constant 0 : i32
    %c0_i32_1 = arith.constant 0 : i32
    return %c0_i32, %c0_i32_0 : i32, i32
  }
  func.func @transform_4(%arg0: i32) -> (i32, i32) {
    %c0_i32 = arith.constant 0 : i32
    %c0_i32_0 = arith.constant 0 : i32
    %c0_i32_1 = arith.constant 0 : i32
    return %c0_i32, %c0_i32_0 : i32, i32
  }
  func.func @transform_5(%arg0: i32) -> (i32, i32) {
    %c0_i32 = arith.constant 0 : i32
    %c0_i32_0 = arith.constant 0 : i32
    %c0_i32_1 = arith.constant 0 : i32
    return %c0_i32, %c0_i32_0 : i32, i32
  }
  func.func @transform_6(%arg0: i32) -> (i32, i32) {
    %c0_i32 = arith.constant 0 : i32
    %c0_i32_0 = arith.constant 0 : i32
    return %arg0, %c0_i32 : i32, i32
  }
}

module attributes {stable_mosaic.version = 14 : i64} {
  func.func @_tc_dense_body(%arg0: i32, %arg1: memref<2x512x128xf32, #tpu.memory_space<vmem>>, %arg2: memref<2x512x128xf32, #tpu.memory_space<vmem>>, %arg3: memref<512x128xf32, #tpu.memory_space<vmem>>, %arg4: memref<128x128xf32, #tpu.memory_space<vmem>>, %arg5: memref<1x128xf32, #tpu.memory_space<vmem>>, %arg6: memref<128x128xf32, #tpu.memory_space<vmem>>, %arg7: memref<512x128xf32, #tpu.memory_space<vmem>>) attributes {dimension_semantics = [#tpu.dimension_semantics<arbitrary>], iteration_bounds = array<i64: 20>, scalar_prefetch = 0 : i64, scratch_operands = 0 : i64, tpu.core_type = #tpu.core_type<tc>, window_params = [{transform_indices = @transform_0, window_bounds = array<i64: 2, 512, 128>}, {transform_indices = @transform_1, window_bounds = array<i64: 2, 512, 128>}, {transform_indices = @transform_2, window_bounds = array<i64: 512, 128>}, {pipeline_mode = #tpu.pipeline_mode<synchronous>, transform_indices = @transform_3, window_bounds = array<i64: 128, 128>}, {pipeline_mode = #tpu.pipeline_mode<synchronous>, transform_indices = @transform_4, window_bounds = array<i64: 1, 128>}, {pipeline_mode = #tpu.pipeline_mode<synchronous>, transform_indices = @transform_5, window_bounds = array<i64: 128, 128>}, {transform_indices = @transform_6, window_bounds = array<i64: 512, 128>}]} {
    %get3A = arith.constant 0 : index
    %get3A_0 = arith.constant 0 : index
    %get3A_1 = arith.constant 0 : index
    %get3A_2 = vector.load %arg1[%get3A, %get3A_0, %get3A_1] : memref<2x512x128xf32, #tpu.memory_space<vmem>>, vector<1x512x128xf32>
    %get3A_3 = vector.shape_cast %get3A_2 : vector<1x512x128xf32> to vector<512x128xf32>
    %get3A_4 = arith.constant 1 : index
    %get3A_5 = arith.constant 0 : index
    %get3A_6 = arith.constant 0 : index
    %get3A_7 = vector.load %arg1[%get3A_4, %get3A_5, %get3A_6] : memref<2x512x128xf32, #tpu.memory_space<vmem>>, vector<1x512x128xf32>
    %get3A_8 = vector.shape_cast %get3A_7 : vector<1x512x128xf32> to vector<512x128xf32>
    %add3A = arith.addf %get3A_3, %get3A_8 : vector<512x128xf32>
    %get3A_9 = arith.constant 0 : index
    %get3A_10 = arith.constant 0 : index
    %get3A_11 = arith.constant 0 : index
    %get3A_12 = vector.load %arg2[%get3A_9, %get3A_10, %get3A_11] : memref<2x512x128xf32, #tpu.memory_space<vmem>>, vector<1x512x1xf32>
    %get3A_13 = vector.shape_cast %get3A_12 : vector<1x512x1xf32> to vector<512x1xf32>
    %get3A_14 = arith.constant 1 : index
    %get3A_15 = arith.constant 0 : index
    %get3A_16 = arith.constant 0 : index
    %get3A_17 = vector.load %arg2[%get3A_14, %get3A_15, %get3A_16] : memref<2x512x128xf32, #tpu.memory_space<vmem>>, vector<1x512x1xf32>
    %get3A_18 = vector.shape_cast %get3A_17 : vector<1x512x1xf32> to vector<512x1xf32>
    %add3A_19 = arith.addf %get3A_13, %get3A_18 : vector<512x1xf32>
    %max3A = arith.constant 1.000000e+00 : f32
    %max3A_20 = vector.broadcast %max3A : f32 to vector<512x1xf32>
    %max3A_21 = arith.maximumf %add3A_19, %max3A_20 : vector<512x1xf32>
    %div3A = arith.constant 1.000000e+00 : f32
    %div3A_22 = vector.broadcast %div3A : f32 to vector<512x1xf32>
    %div3A_23 = arith.divf %div3A_22, %max3A_21 : vector<512x1xf32>
    %mul3A = vector.broadcast %div3A_23 : vector<512x1xf32> to vector<512x128xf32>
    %mul3A_24 = arith.mulf %add3A, %mul3A : vector<512x128xf32>
    %get3A_25 = arith.constant 0 : index
    %get3A_26 = arith.constant 0 : index
    %get3A_27 = vector.load %arg4[%get3A_25, %get3A_26] : memref<128x128xf32, #tpu.memory_space<vmem>>, vector<128x128xf32>
    %dot_general3A = arith.constant dense<0.000000e+00> : vector<512x128xf32>
    %dot_general3A_28 = tpu.matmul %mul3A_24, %get3A_27, %dot_general3A {dimension_numbers = #tpu.dot_dimension_numbers<[1], [0], [0], [1], [0, 0, 1, 1], [], []>, transpose_lhs_hint = false} : vector<512x128xf32>, vector<128x128xf32>, vector<512x128xf32> -> vector<512x128xf32>
    %get3A_29 = arith.constant 0 : index
    %get3A_30 = arith.constant 0 : index
    %get3A_31 = vector.load %arg5[%get3A_29, %get3A_30] : memref<1x128xf32, #tpu.memory_space<vmem>>, vector<1x128xf32>
    %add3A_32 = vector.broadcast %get3A_31 : vector<1x128xf32> to vector<512x128xf32>
    %add3A_33 = arith.addf %dot_general3A_28, %add3A_32 : vector<512x128xf32>
    %get3A_34 = arith.constant 0 : index
    %get3A_35 = arith.constant 0 : index
    %get3A_36 = vector.load %arg3[%get3A_34, %get3A_35] : memref<512x128xf32, #tpu.memory_space<vmem>>, vector<512x128xf32>
    %get3A_37 = arith.constant 0 : index
    %get3A_38 = arith.constant 0 : index
    %get3A_39 = vector.load %arg6[%get3A_37, %get3A_38] : memref<128x128xf32, #tpu.memory_space<vmem>>, vector<128x128xf32>
    %dot_general3A_40 = arith.constant dense<0.000000e+00> : vector<512x128xf32>
    %dot_general3A_41 = tpu.matmul %get3A_36, %get3A_39, %dot_general3A_40 {dimension_numbers = #tpu.dot_dimension_numbers<[1], [0], [0], [1], [0, 0, 1, 1], [], []>, transpose_lhs_hint = false} : vector<512x128xf32>, vector<128x128xf32>, vector<512x128xf32> -> vector<512x128xf32>
    %add3A_42 = arith.addf %add3A_33, %dot_general3A_41 : vector<512x128xf32>
    %swap3A = arith.constant 0 : index
    %swap3A_43 = arith.constant 0 : index
    %swap3A_44 = vector.load %arg7[%swap3A, %swap3A_43] : memref<512x128xf32, #tpu.memory_space<vmem>>, vector<512x128xf32>
    tpu.vector_store %arg7[%swap3A, %swap3A_43], %add3A_42 {strides = array<i32>} : memref<512x128xf32, #tpu.memory_space<vmem>>, vector<512x128xf32>,
    return
  }
  func.func @transform_0(%arg0: i32) -> (i32, i32, i32) {
    %c0_i32 = arith.constant 0 : i32
    %c0_i32_0 = arith.constant 0 : i32
    %c0_i32_1 = arith.constant 0 : i32
    return %c0_i32, %arg0, %c0_i32_0 : i32, i32, i32
  }
  func.func @transform_1(%arg0: i32) -> (i32, i32, i32) {
    %c0_i32 = arith.constant 0 : i32
    %c0_i32_0 = arith.constant 0 : i32
    %c0_i32_1 = arith.constant 0 : i32
    return %c0_i32, %arg0, %c0_i32_0 : i32, i32, i32
  }
  func.func @transform_2(%arg0: i32) -> (i32, i32) {
    %c0_i32 = arith.constant 0 : i32
    %c0_i32_0 = arith.constant 0 : i32
    return %arg0, %c0_i32 : i32, i32
  }
  func.func @transform_3(%arg0: i32) -> (i32, i32) {
    %c0_i32 = arith.constant 0 : i32
    %c0_i32_0 = arith.constant 0 : i32
    %c0_i32_1 = arith.constant 0 : i32
    return %c0_i32, %c0_i32_0 : i32, i32
  }
  func.func @transform_4(%arg0: i32) -> (i32, i32) {
    %c0_i32 = arith.constant 0 : i32
    %c0_i32_0 = arith.constant 0 : i32
    %c0_i32_1 = arith.constant 0 : i32
    return %c0_i32, %c0_i32_0 : i32, i32
  }
  func.func @transform_5(%arg0: i32) -> (i32, i32) {
    %c0_i32 = arith.constant 0 : i32
    %c0_i32_0 = arith.constant 0 : i32
    %c0_i32_1 = arith.constant 0 : i32
    return %c0_i32, %c0_i32_0 : i32, i32
  }
  func.func @transform_6(%arg0: i32) -> (i32, i32) {
    %c0_i32 = arith.constant 0 : i32
    %c0_i32_0 = arith.constant 0 : i32
    return %arg0, %c0_i32 : i32, i32
  }
}

</mosaic_0001>

<sc_bundles>
// kernel: kernel.6.cloned.1.call-start
scs
__scs_entry_jumppad:
0x0: {  	(pc) =	sbr.rel $0x88, $3  }
0x1: {  	(tag) =	ssettag $0x0;
	lr =	simm.s32 $0x1  }
0x2: {  	[smem:$0x3F99] =	sst lr;
	_ =	strace $0xD0000000  }
0x3: {  	_ = 	snop  }
0x4: {  	_ = 	snop  }
0x5: {  	_ = 	snop  }
0x6: {  	_ = 	snop  }
0x7: {  	_ = 	snop  }
__scs_overlays_trampoline_lowered:
0x8: {  	[smem:$0x3FA8] =	sst s0  }
0x9: {  	[smem:$0x3FA9] =	sst s1  }
0xa: {  	[smem:$0x3FAA] =	sst s2  }
0xb: {  	[smem:$0x3FAB] =	sst s3  }
0xc: {  	[smem:$0x3FAC] =	sst s4  }
0xd: {  	[smem:$0x3FAD] =	sst s5  }
0xe: {  	[smem:$0x3FAE] =	sst s6  }
0xf: {  	[smem:$0x3FAF] =	sst s7  }
0x10: {  	[smem:$0x3FB0] =	sst s8  }
0x11: {  	[smem:$0x3FB1] =	sst s9;
	s0 =	simm.s32 @!p0 $0x0  }
0x12: {  	s1 =	sld [smem:$0x3F97];
	s0 =	simm.s32 @p0 $0x1  }
0x13: {  	[smem:$0x3FB2] =	sst s0;
	s0 =	simm.s32 @!p1 $0x0  }
0x14: {  	s2 =	sld [smem:$0x3F96];
	s0 =	simm.s32 @p1 $0x1  }
0x15: {  	[smem:$0x3FB3] =	sst s0;
	s0 =	simm.s32 @!p2 $0x0  }
0x16: {  	s3 =	sld [smem:$0x3FDB];
	s0 =	simm.s32 @p2 $0x1  }
0x17: {  	s4 =	simm.s32 $0x1BF5;
	[smem:$0x3FB5] =	sst s0  }
0x18: {  	s0 =	sld [smem:$0x3F98];
	_ =	swait.ge [sflag:s4], $0x0  }
0x19: {  	s7 =	sld [smem:$0x3F99]  }
0x1a: {  	s8 =	sadd.s32 $0xFFFFE003, lr  }
0x1b: {  	s9 =	sadd.s32 $0xFFFFFEF7, lr;
	s5 =	simm.s32 $0xFFFFFFFF;
	p2 =	slt.u32 s8, $0xFFFFF086  }
0x1c: {  	p1 =	slt.u32 s9, $0xF7A;
	s5 =	simm.s32 @!p2 $0x0  }
0x1d: {  	s5 =	simm.s32 @p1 $0x1;
	p0 =	seq.s32 s7, s2  }
0x1e: {  	s7 =	smul.u32 @!p0 $0xF7A, s2;
	p2 =	seq.s32 @!p0 s5, $0x0  }
0x1f: {  	s9 =	smul.u32 $0xF7A, s1;
	s8 =	simm.s32 @!p0 $0x1BF5;
	p2 =	por !p2, p0  }
0x20: {  	[sflag:s8] =	ssyncset.s32 @!p0 $0xFFFFF086;
	s6 =	sadd.s32 @!p0 s3, s7;
	s7 =	simm.s32 @!p0 $0x108  }
0x21: {  	s3 =	sadd.s32 s3, s9;
	s6 =	sadd.s32 @!p0 $0x88, s6;
	s7 =	simm.s32 @p2 $0x1082  }
0x22: {  	[simem:s7], [sflag:s8] =	dma.local @!p0 [hbm:s6], $0xF7A  }
0x23: {  	s9 =	sor.u32 $0xD0000000, s2;
	s6 =	simm.s32 $0x108;
	_ =	swait.ge @!p0 [sflag:s8], $0x0  }
0x24: {  	s3 =	sadd.s32 $0x88, s3;
	s6 =	simm.s32 @!p1 $0x1082;
	[sflag:s4] =	ssyncset.s32 $0xFFFFF086  }
0x25: {  	[simem:s6], [sflag:s4] =	dma.local [hbm:s3], $0xF7A  }
0x26: {  	[smem:$0x3F99] =	sst s1;
	(tag) =	ssettag s2;
	_ =	strace s9  }
0x27: {  	s1 =	sld [smem:$0x3FA9]  }
0x28: {  	s2 =	sld [smem:$0x3FAA]  }
0x29: {  	s4 =	sld [smem:$0x3FAC]  }
0x2a: {  	p0 =	seq.s32 s5, $0x0;
	s5 =	sld [smem:$0x3FAD]  }
0x2b: {  	s6 =	sld [smem:$0x3FAE]  }
0x2c: {  	s7 =	sld [smem:$0x3FAF]  }
0x2d: {  	s3 =	simm.s32 $0x108;
	s8 =	sld [smem:$0x3FB0]  }
0x2e: {  	s3 =	simm.s32 @!p0 $0x1082;
	s9 =	sld [smem:$0x3FB1]  }
0x2f: {  	lr =	sadd.s32 s0, s3;
	s0 =	sld [smem:$0x3FA8]  }
0x30: {  	s3 =	sld [smem:$0x3FAB]  }
0x31: {  	[smem:$0x3FB4] =	sst s10  }
0x32: {  	s10 =	sld [smem:$0x3FB2];
	_ =	sdelay $0x3  }
0x33: {  	p0 =	seq.s32 s10, $0x1;
	s10 =	sld [smem:$0x3FB4];
	_ =	sdelay $0x3  }
0x34: {  	[smem:$0x3FB4] =	sst s10  }
0x35: {  	s10 =	sld [smem:$0x3FB3];
	_ =	sdelay $0x3  }
0x36: {  	p1 =	seq.s32 s10, $0x1;
	s10 =	sld [smem:$0x3FB4];
	_ =	sdelay $0x3  }
0x37: {  	[smem:$0x3FB4] =	sst s10  }
0x38: {  	s10 =	sld [smem:$0x3FB5]  }
0x39: {  	_ = 	snop;
	(pc) =	sbr.ind lr, $3  }
0x3a: {  	_ = 	snop  }
0x3b: {  	_ = 	snop  }
0x3c: {  	p2 =	seq.s32 s10, $0x1;
	s10 =	sld [smem:$0x3FB4]  }
0x3d: {  	_ =	shalt  }
0x3e: {  	_ =	shalt  }
0x3f: {  	_ =	shalt  }
0x40: {  	_ =	shalt  }
0x41: {  	_ =	shalt  }
0x42: {  	_ =	shalt  }
0x43: {  	_ =	shalt  }
0x44: {  	_ =	shalt  }
0x45: {  	_ =	shalt  }
0x46: {  	_ =	shalt  }
0x47: {  	_ =	shalt  }
0x48: {  	_ =	shalt  }
0x49: {  	_ =	shalt  }
0x4a: {  	_ =	shalt  }
0x4b: {  	_ =	shalt  }
0x4c: {  	_ =	shalt  }
0x4d: {  	_ =	shalt  }
0x4e: {  	_ =	shalt  }
0x4f: {  	_ =	shalt  }
0x50: {  	_ =	shalt  }
0x51: {  	_ =	shalt  }
0x52: {  	_ =	shalt  }
0x53: {  	_ =	shalt  }
0x54: {  	_ =	shalt  }
0x55: {  	_ =	shalt  }
0x56: {  	_ =	shalt  }
0x57: {  	_ =	shalt  }
0x58: {  	_ =	shalt  }
0x59: {  	_ =	shalt  }
0x5a: {  	_ =	shalt  }
0x5b: {  	_ =	shalt  }
0x5c: {  	_ =	shalt  }
0x5d: {  	_ =	shalt  }
0x5e: {  	_ =	shalt  }
0x5f: {  	_ =	shalt  }
0x60: {  	_ =	shalt  }
0x61: {  	_ =	shalt  }
0x62: {  	_ =	shalt  }
0x63: {  	_ =	shalt  }
0x64: {  	_ =	shalt  }
0x65: {  	_ =	shalt  }
0x66: {  	_ =	shalt  }
0x67: {  	_ =	shalt  }
0x68: {  	_ =	shalt  }
0x69: {  	_ =	shalt  }
0x6a: {  	_ =	shalt  }
0x6b: {  	_ =	shalt  }
0x6c: {  	_ =	shalt  }
0x6d: {  	_ =	shalt  }
0x6e: {  	_ =	shalt  }
0x6f: {  	_ =	shalt  }
0x70: {  	_ =	shalt  }
0x71: {  	_ =	shalt  }
0x72: {  	_ =	shalt  }
0x73: {  	_ =	shalt  }
0x74: {  	_ =	shalt  }
0x75: {  	_ =	shalt  }
0x76: {  	_ =	shalt  }
0x77: {  	_ =	shalt  }
0x78: {  	_ =	shalt  }
0x79: {  	_ =	shalt  }
0x7a: {  	_ =	shalt  }
0x7b: {  	_ =	shalt  }
0x7c: {  	_ =	shalt  }
0x7d: {  	_ =	shalt  }
0x7e: {  	_ =	shalt  }
0x7f: {  	_ =	shalt  }
0x80: {  	_ =	shalt  }
0x81: {  	_ =	shalt  }
0x82: {  	_ =	shalt  }
0x83: {  	_ =	shalt  }
0x84: {  	_ =	shalt  }
0x85: {  	_ =	shalt  }
0x86: {  	_ =	shalt  }
0x87: {  	_ =	shalt  }
.Lfunc_end0:
.L_simem_size_0:
called_computation_lowered:
.L_overlay_start_0:
0x88: {  	s2 =	sld [smem:$0x3FD9]  }
0x89: {  	s3 =	sld [smem:$0x3FFE];
	_ =	sdelay $0x1  }
0x8a: {  	s1 =	srdreg.scid  }
0x8b: {  	s0 =	sand.u32 $0x1, s1  }
0x8c: {  	s17 =	sshll.u32 s0, $0xA;
	s2 =	sadd.s32 s3, s2  }
0x8d: {  	s2 =	sadd.s32 s2, s17  }
0x8e: {  	[smem:$0x3FC0] =	sst s2  }
0x8f: {  	_ = 	snop  }
0x90: {  	s2 =	sld [smem:$0x3FD0];
	(tm) =	ssettm $0x1  }
0x91: {  	s18 =	sld [smem:$0x3FFB];
	_ =	sdelay $0x3  }
0x92: {  	_ =	strace s18  }
0x93: {  	s3 =	sld [smem:$0x3FFC];
	_ =	sdelay $0x3  }
0x94: {  	_ =	strace s3  }
0x95: {  	s3 =	sld [smem:$0x3FFD];
	_ =	sdelay $0x3  }
0x96: {  	_ =	strace s3  }
0x97: {  	_ =	strace $0x8FFFFFFF  }
0x98: {  	s19 =	sld [smem:$0x3FDB];
	_ =	sdelay $0x1  }
0x99: {  	s4 =	simm.s32 $_scs_section_size  }
0x9a: {  	s5 =	simm.s32 $_size__tile_overlayer_lowered;
	s6 =	simm.s32 $_tile_overlayer_lowered  }
0x9b: {  	s22 =	simm.s32 $0x1BFF;
	s21 =	sshll.u32 s6, $0x1;
	s3 =	sadd.s32 s4, s19  }
0x9c: {  	s7 =	simm.s32 $0x0;
	s20 =	sshll.u32 s5, $0x1;
	s5 =	sadd.s32 s21, s3  }
0x9d: {  	[timem:s7], [sflag:s22] =	dma.local [hbm:s5], s20  }
0x9e: {  	_ =	swait.ge [sflag:s22], s20  }
0x9f: {  	s4 =	ssub.s32 $0x0, s20;
	[sflag:s22] =	ssyncset.done $0x0  }
0xa0: {  	[sflag:s22] =	ssyncadd.s32 s4;
	_ =	sdelay $0x1  }
0xa1: {  	s23 =	simm.s32 $0x1B8B  }
0xa2: {  	_ =	swait.ge [sflag:s23], $0x1  }
0xa3: {  	[sflag:s23] =	ssyncset.done $0x0  }
0xa4: {  	s25 =	simm.s32 $0x1B8E;
	s24 =	sld [smem:$0x3FFE];
	[sflag:s23] =	ssyncadd.s32 $0xFFFFFFFF  }
0xa5: {  	s26 =	simm.s32 $execute0_lowered;
	[smem:$0x3FD2] =	sst s25  }
0xa6: {  	s5 =	sshll.u32 s26, $0x1;
	_ =	strace $0x80000046;
	[dreg:$0x1] =	wrdreg $0xFFFFFFFF  }
0xa7: {  	s28 =	simm.s32 $_size_execute0_lowered;
	s3 =	sadd.s32 s3, s5;
	[dreg:$0x0] =	wrdreg $0x0  }
0xa8: {  	s5 =	sshll.u32 s28, $0x1;
	[dreg:$0x2] =	wrdreg s3  }
0xa9: {  	[dreg:$0x3] =	wrdreg s5  }
0xaa: {  	[dreg:$0x4] =	wrdreg $0xC0  }
0xab: {  	_ =	task [dreg:s7], $0x5FFFF  }
0xac: {  	[dreg:$0x1] =	wrdreg $0xFFFFFFFF  }
0xad: {  	[dreg:$0x0] =	wrdreg $0x60  }
0xae: {  	[dreg:$0x2] =	wrdreg s24  }
0xaf: {  	[dreg:$0x3] =	wrdreg s2  }
0xb0: {  	[dreg:$0x4] =	wrdreg $0xA9000  }
0xb1: {  	[dreg:$0x5] =	wrdreg $0x9  }
0xb2: {  	_ =	task.clear_ibuf [dreg:s7], $0x6FFFF;
	_ =	strace $0x90000046  }
0xb3: {  	s29 =	simm.s32 $0x9;
	_ =	strace $0x80000048  }
0xb4: {  	_ =	swait.ge [sflag:s29], $0x1  }
0xb5: {  	[sflag:s29] =	ssyncadd.s32 $0xFFFFFFFF  }
0xb6: {  	_ =	strace $0x90000048  }
0xb7: {  	_ =	sfence  }
0xb8: {  	s30 =	sld [smem:$0x0];
	_ =	sdelay $0x2  }
0xb9: {  	s31 =	sshll.u32 s1, $0xD;
	s1 =	sshrl.u32 s1, $0x2  }
0xba: {  	s3 =	sand.u32 $0x4000, s31;
	s1 =	sadd.s32 s1, s30  }
0xbb: {  	s0 =	sor.u32 s3, s0;
	s1 =	sshll.u32 s1, $0x11  }
0xbc: {  	s0 =	sor.u32 s1, s0  }
0xbd: {  	s0 =	sadd.s32 $0x8F2B, s0  }
0xbe: {  	[sflag:s0] =	ssyncadd.remote.s32 $0x1  }
0xbf: {  	_ =	sfence.sel $0xFFFF  }
0xc0: {  	[dreg:$0x0] =	wrdreg $0xFFFFFFFF;
	(pc) =	sbr.abs _section_cstart, $3  }
0xc1: {  	[dreg:$0x1] =	wrdreg $0xFFFFFFFF  }
0xc2: {  	_ =	task.clear_ibuf [dreg:s7], $0x2FFFF;
	_ =	strace $0x9FFFFFFF  }
0xc3: {  	(tm) =	ssettm $0x7FFFFFFF  }
tec
execute0_lowered:
.L_overlay_start_1:
0x0: {  	(tag) =	ssettag $0x1  }
0x1: {  	s0 =	srdreg.scid;
	s1 =	rddreg [dreg:$0x0]  }
0x2: {  	s2 =	rddreg [dreg:$0x1];
	s9 =	stileid.u32  }
0x3: {  	s3 =	rddreg [dreg:$0x2];
	s20 =	simm.s32 $0x2900;
	s28 =	simm.s32 $0x1  }
0x4: {  	s29 =	simm.s32 $0x3;
	s30 =	simm.s32 $0x5;
	s31 =	simm.s32 $0x2  }
0x5: {  	s0 =	sand.u32 $0x1, s0;
	s8 =	smul.u32 $0x14000, s9;
	s6 =	sadd.s32 $0xC800, s1  }
0x6: {  	s10 =	sadd.s32 $0x34800, s1;
	s21 =	sadd.s32 $0x35000, s1;
	s4 =	sshll.u32 s0, $0x4  }
0x7: {  	s7 =	smul.u32 $0x140000, s0;
	s0 =	ssub.s32 $0x2, s0;
	s5 =	sor.u32 s9, s4  }
0x8: {  	s4 =	simm.s32 $0x0;
	s9 =	smul.u32 $0x50000, s9;
	s23 =	sshrl.u32 s0, $0x1  }
0x9: {  	s5 =	smul.u32 $0x2800, s5;
	[smem:$0x7FF] =	sst s4;
	s7 =	sadd.s32 s8, s7  }
0xa: {  	s0 =	ssub.s32 s0, s23;
	_ =	strace $0x80000047;
	[dreg:$0x4] =	wrdreg s10  }
0xb: {  	s23 =	simm.s32 $0x80;
	[dreg:$0x5] =	wrdreg s21;
	s22 =	sshrl.u32 s9, $0x2  }
0xc: {  	s7 =	sshrl.u32 s7, $0x3;
	s0 =	smax.u32 s0, $0x1;
	s21 =	simm.s32 $0x7  }
0xd: {  	s14 =	sshrl.u32 s5, $0x3;
	s9 =	sadd.s32 s22, s3;
	[dreg:$0xa] =	wrdreg s0  }
0xe: {  	s22 =	simm.s32 $0x6900;
	s0 =	simm.s32 $0x0;
	s15 =	sadd.s32 s14, s1  }
0xf: {  	s1 =	sadd.s32 s7, s1;
	s10 =	sadd.s32 $0x4000, s9;
	s24 =	sadd.s32 $0x2800, s15  }
0x10: {  	s16 =	sadd.s32 s2, s14;
	s25 =	sadd.s32 $0x85800, s1;
	[dreg:$0x6] =	wrdreg s24  }
0x11: {  	s11 =	sadd.s32 $0x8000, s9;
	s26 =	sadd.s32 $0x10, s16;
	[dreg:$0x7] =	wrdreg s25  }
0x12: {  	s12 =	sadd.s32 $0xC000, s9;
	s1 =	sadd.s32 $0x35800, s1;
	[dreg:$0x8] =	wrdreg s26  }
0x13: {  	s13 =	sadd.s32 $0x10000, s9;
	[dreg:$0x9] =	wrdreg s1;
	s24 =	simm.s32 $0x4  }
0x14: {  	s25 =	simm.s32 $0x2800;
	s26 =	simm.s32 $0x2880;
	s1 =	simm.s32 $0x6  }
.LBB2_1:
0x15: {  	s7 =	rddreg [dreg:$0x4]  }
0x16: {  	[tilespmem:s20], [sflag:$0x7] =	stream.linear.gather [hbm4b:s7+s4], $0x4000, $0x38;
	[tilespmem:$0x1E900] =	vst v63  }
0x17: {  	_ =	swait.ge [sflag:s21], $0x4000  }
0x18: {  	[sflag:s21] =	ssyncset.done $0x0  }
0x19: {  	[sflag:s21] =	ssyncadd.s32 $0xFFFFC000  }
0x1a: {  	[spmem:s9] =	stream.linear.scatter [tilespmem:s20], [sflag:$0x7], $0x4000, $0x38;
	[tilespmem:$0x1E900] =	vst v63  }
0x1b: {  	_ =	swait.ge [sflag:s21], $0x4000  }
0x1c: {  	[sflag:s21] =	ssyncset.done $0x0  }
0x1d: {  	[sflag:s21] =	ssyncadd.s32 $0xFFFFC000  }
0x1e: {  	[spmem:s10] =	stream.linear.scatter [tilespmem:s20], [sflag:$0x7], $0x4000, $0x38;
	[tilespmem:$0x1E900] =	vst v63  }
0x1f: {  	_ =	swait.ge [sflag:s21], $0x4000  }
0x20: {  	[sflag:s21] =	ssyncset.done $0x0  }
0x21: {  	[sflag:s21] =	ssyncadd.s32 $0xFFFFC000  }
0x22: {  	[spmem:s11] =	stream.linear.scatter [tilespmem:s20], [sflag:$0x7], $0x4000, $0x38;
	[tilespmem:$0x1E900] =	vst v63  }
0x23: {  	_ =	swait.ge [sflag:s21], $0x4000  }
0x24: {  	[sflag:s21] =	ssyncset.done $0x0  }
0x25: {  	[sflag:s21] =	ssyncadd.s32 $0xFFFFC000  }
0x26: {  	[spmem:s12] =	stream.linear.scatter [tilespmem:s20], [sflag:$0x7], $0x4000, $0x38;
	[tilespmem:$0x1E900] =	vst v63  }
0x27: {  	_ =	swait.ge [sflag:s21], $0x4000  }
0x28: {  	[sflag:s21] =	ssyncset.done $0x0  }
0x29: {  	[sflag:s21] =	ssyncadd.s32 $0xFFFFC000  }
0x2a: {  	[spmem:s13] =	stream.linear.scatter [tilespmem:s20], [sflag:$0x7], $0x4000, $0x38;
	[tilespmem:$0x1E900] =	vst v63  }
0x2b: {  	_ =	swait.ge [sflag:s21], $0x4000  }
0x2c: {  	[sflag:s21] =	ssyncset.done $0x0  }
0x2d: {  	s18 =	rddreg [dreg:$0x6];
	[sflag:s21] =	ssyncadd.s32 $0xFFFFC000  }
0x2e: {  	[tilespmem:s4], [sflag:$0x7] =	stream.linear.gather [hbm4b:s18+s4], $0x2800, $0x38;
	[tilespmem:$0x1E900] =	vst v63  }
0x2f: {  	_ =	swait.ge [sflag:s21], $0x2800  }
0x30: {  	[sflag:s21] =	ssyncset.done $0x0  }
0x31: {  	[sflag:s21] =	ssyncadd.s32 $0xFFFFD800  }
0x32: {  	[bflag:$0x0] =	sbarrier.arrive $0xFFFF  }
0x33: {  	s19 =	rddreg [dreg:$0x5]  }
0x34: {  	[tilespmem:s22], [sflag:$0x7] =	stream.linear.gather [hbm4b:s19+s4], $0x4000, $0x38;
	[tilespmem:$0x1E900] =	vst v63  }
0x35: {  	_ =	swait.ge [sflag:s21], $0x4000  }
0x36: {  	[sflag:s21] =	ssyncset.done $0x0  }
0x37: {  	s7 =	simm.s32 $0x0;
	[sflag:s21] =	ssyncadd.s32 $0xFFFFC000  }
.LBB2_2:
0x38: {  	p0 =	sne.s32 s7, $0x9E00  }
.Ltmp0:
0x39: {  	_ = 	snop;
	(pc) =	sbr.rel @p0 .LBB2_2-.Ltmp0, $3  }
0x3a: {  	_ =	sdelay $0x1  }
0x3b: {  	s8 =	sshra.s32 s7, $0x2;
	s7 =	sadd.s32 $0x200, s7  }
0x3c: {  	[spmem:s3] =	stream.indirect.scatter.add.f32 [tilespmem:s22], [sflag:$0x4], $0x80, s8, s23, $0xb8;
	[tilespmem:$0x1E900] =	vst v63  }
0x3d: {  	_ =	swait.ge [sflag:s24], $0x4000  }
0x3e: {  	s7 =	simm.s32 $0x4F;
	[sflag:s24] =	ssyncset.done $0x0  }
.LBB2_4:
0x3f: {  	p0 =	sne.s32 s7, $0x1;
	s7 =	sadd.s32 $0xFFFFFFFF, s7;
	[sflag:s24] =	ssyncadd.s32 $0xFFFFC000  }
.Ltmp1:
0x40: {  	(pc) =	sbr.rel @p0 .LBB2_4-.Ltmp1, $3  }
0x41: {  	_ =	sdelay $0x1  }
0x42: {  	_ =	swait.ge [sflag:s24], $0x4000  }
0x43: {  	[sflag:s24] =	ssyncset.done $0x0  }
0x44: {  	[sflag:s24] =	ssyncadd.s32 $0xFFFFC000;
	s7 =	stileid.u32  }
0x45: {  	s7 =	sshll.u32 s7, $0x6;
	[bflag:$0x0] =	sbarrier.arrive $0xFFFF  }
0x46: {  	s8 =	sshrl.u32 s9, $0x3;
	s7 =	sor.u32 $0x1C07, s7;
	s14 =	rddreg [dreg:$0x7]  }
0x47: {  	[hbm:s14], [sflag:s7] =	dma.local [spmem:s8], $0x2800  }
0x48: {  	_ =	swait.ge [sflag:s21], $0x2800  }
0x49: {  	[sflag:s21] =	ssyncset.done $0x0  }
0x4a: {  	[sflag:s21] =	ssyncadd.s32 $0xFFFFD800  }
0x4b: {  	[spmem:s9] =	stream.linear.scatter [tilespmem:s20], [sflag:$0x7], $0x4000, $0x38;
	[tilespmem:$0x1E900] =	vst v63  }
0x4c: {  	_ =	swait.ge [sflag:s21], $0x4000  }
0x4d: {  	[sflag:s21] =	ssyncset.done $0x0  }
0x4e: {  	[sflag:s21] =	ssyncadd.s32 $0xFFFFC000  }
0x4f: {  	[spmem:s10] =	stream.linear.scatter [tilespmem:s20], [sflag:$0x7], $0x4000, $0x38;
	[tilespmem:$0x1E900] =	vst v63  }
0x50: {  	_ =	swait.ge [sflag:s21], $0x4000  }
0x51: {  	[sflag:s21] =	ssyncset.done $0x0  }
0x52: {  	[sflag:s21] =	ssyncadd.s32 $0xFFFFC000  }
0x53: {  	[spmem:s11] =	stream.linear.scatter [tilespmem:s20], [sflag:$0x7], $0x4000, $0x38;
	[tilespmem:$0x1E900] =	vst v63  }
0x54: {  	_ =	swait.ge [sflag:s21], $0x4000  }
0x55: {  	[sflag:s21] =	ssyncset.done $0x0  }
0x56: {  	[sflag:s21] =	ssyncadd.s32 $0xFFFFC000  }
0x57: {  	[spmem:s12] =	stream.linear.scatter [tilespmem:s20], [sflag:$0x7], $0x4000, $0x38;
	[tilespmem:$0x1E900] =	vst v63  }
0x58: {  	_ =	swait.ge [sflag:s21], $0x4000  }
0x59: {  	[sflag:s21] =	ssyncset.done $0x0  }
0x5a: {  	[sflag:s21] =	ssyncadd.s32 $0xFFFFC000  }
0x5b: {  	[spmem:s13] =	stream.linear.scatter [tilespmem:s20], [sflag:$0x7], $0x4000, $0x38;
	[tilespmem:$0x1E900] =	vst v63  }
0x5c: {  	_ =	swait.ge [sflag:s21], $0x4000  }
0x5d: {  	[sflag:s21] =	ssyncset.done $0x0  }
0x5e: {  	[sflag:s21] =	ssyncadd.s32 $0xFFFFC000  }
0x5f: {  	[bflag:$0x0] =	sbarrier.arrive $0xFFFF  }
0x60: {  	[tilespmem:s25], [sflag:$0x7] =	stream.linear.gather [hbm4b:s16+s4], $0x80, $0x38;
	[tilespmem:$0x1E900] =	vst v63  }
0x61: {  	_ =	swait.ge [sflag:s21], $0x80  }
0x62: {  	[sflag:s21] =	ssyncset.done $0x0  }
0x63: {  	s14 =	simm.s32 $0x80;
	[sflag:s21] =	ssyncadd.s32 $0xFFFFFF80  }
0x64: {  	[tilespmem:s20], [sflag:$0x1] =	stream.indirect.gather [hbm4b:s6+s14], $0x80, s25, s14, $0xb8;
	[tilespmem:$0x1E900] =	vst v63  }
0x65: {  	s15 =	rddreg [dreg:$0x8]  }
0x66: {  	[tilespmem:s26], [sflag:$0x7] =	stream.linear.gather [hbm4b:s15+s4], $0x80, $0x38;
	[tilespmem:$0x1E900] =	vst v63  }
0x67: {  	_ =	swait.ge [sflag:s21], $0x80  }
0x68: {  	s18 =	simm.s32 $0x100;
	[sflag:s21] =	ssyncset.done $0x0  }
0x69: {  	s17 =	sand.u32 $0x7C00, s18;
	[sflag:s21] =	ssyncadd.s32 $0xFFFFFF80  }
0x6a: {  	[tilespmem:s22], [sflag:$0x2] =	stream.indirect.gather [hbm4b:s6+s14], $0x80, s26, s14, $0xb8;
	[tilespmem:$0x1E900] =	vst v63  }
0x6b: {  	s17 =	sadd.s32 s5, s17;
	s15 =	sand.u32 $0x300, s18;
	_ =	swait.ge [sflag:s28], $0x4000  }
0x6c: {  	s15 =	sor.u32 s15, s17;
	[sflag:s28] =	ssyncset.done $0x0  }
0x6d: {  	s19 =	simm.s32 $0x0;
	s15 =	sshrl.u32 s15, $0x3;
	[sflag:s28] =	ssyncadd.s32 $0xFFFFC000  }
0x6e: {  	[spmem:s3] =	stream.indirect.scatter.add.f32 [tilespmem:s20], [sflag:$0x3], $0x80, s19, s23, $0xb8;
	[tilespmem:$0x1E900] =	vst v63  }
0x6f: {  	s15 =	sadd.s32 s2, s15  }
0x70: {  	[tilespmem:s25], [sflag:$0x5] =	stream.linear.gather [hbm4b:s15+s4], $0x80, $0x38;
	[tilespmem:$0x1E900] =	vst v63  }
0x71: {  	_ =	swait.ge [sflag:s29], $0x4000  }
0x72: {  	[sflag:s29] =	ssyncset.done $0x0  }
0x73: {  	[sflag:s29] =	ssyncadd.s32 $0xFFFFC000  }
0x74: {  	_ =	swait.ge [sflag:s30], $0x80  }
0x75: {  	s18 =	simm.s32 $0x180;
	[sflag:s30] =	ssyncset.done $0x0  }
0x76: {  	s19 =	sand.u32 $0x7C00, s18;
	[sflag:s30] =	ssyncadd.s32 $0xFFFFFF80  }
0x77: {  	[tilespmem:s20], [sflag:$0x1] =	stream.indirect.gather [hbm4b:s6+s23], $0x80, s25, s23, $0xb8;
	[tilespmem:$0x1E900] =	vst v63  }
0x78: {  	s17 =	sadd.s32 s5, s19;
	s15 =	sand.u32 $0x380, s18;
	_ =	swait.ge [sflag:s31], $0x4000  }
0x79: {  	s15 =	sor.u32 s15, s17;
	[sflag:s31] =	ssyncset.done $0x0  }
0x7a: {  	s15 =	sshrl.u32 s15, $0x3;
	[sflag:s31] =	ssyncadd.s32 $0xFFFFC000  }
0x7b: {  	[spmem:s3] =	stream.indirect.scatter.add.f32 [tilespmem:s22], [sflag:$0x4], $0x80, s14, s23, $0xb8;
	[tilespmem:$0x1E900] =	vst v63  }
0x7c: {  	s15 =	sadd.s32 s2, s15  }
0x7d: {  	[tilespmem:s26], [sflag:$0x6] =	stream.linear.gather [hbm4b:s15+s4], $0x80, $0x38;
	[tilespmem:$0x1E900] =	vst v63  }
0x7e: {  	s15 =	simm.s32 $0x280;
	_ =	swait.ge [sflag:s24], $0x4000  }
.LBB2_6:
0x7f: {  	p0 =	sne.s32 s15, $0x2780  }
0x80: {  	[sflag:s24] =	ssyncset.done $0x0;
	s14 =	sadd.s32 $0x100, s14;
	s17 =	smov.u32 s15  }
0x81: {  	s15 =	sadd.s32 $0x100, s15;
	s18 =	sadd.s32 $0xFFFFFF80, s17;
	[sflag:s24] =	ssyncadd.s32 $0xFFFFC000  }
0x82: {  	s19 =	sand.u32 $0x7C00, s18;
	_ =	swait.ge [sflag:s1], $0x80  }
0x83: {  	s18 =	sand.u32 $0x300, s18;
	s19 =	sadd.s32 s5, s19;
	[sflag:s1] =	ssyncset.done $0x0  }
0x84: {  	s18 =	sor.u32 s18, s19;
	[sflag:s1] =	ssyncadd.s32 $0xFFFFFF80  }
0x85: {  	[tilespmem:s22], [sflag:$0x2] =	stream.indirect.gather [hbm4b:s6+s23], $0x80, s26, s23, $0xb8;
	[tilespmem:$0x1E900] =	vst v63  }
0x86: {  	s18 =	sshrl.u32 s18, $0x3;
	_ =	swait.ge [sflag:s28], $0x4000  }
0x87: {  	[sflag:s28] =	ssyncset.done $0x0  }
0x88: {  	s19 =	sadd.s32 $0xFFFFFF80, s14;
	[sflag:s28] =	ssyncadd.s32 $0xFFFFC000  }
0x89: {  	[spmem:s3] =	stream.indirect.scatter.add.f32 [tilespmem:s20], [sflag:$0x3], $0x80, s19, s23, $0xb8;
	[tilespmem:$0x1E900] =	vst v63  }
0x8a: {  	s18 =	sadd.s32 s2, s18  }
0x8b: {  	[tilespmem:s25], [sflag:$0x5] =	stream.linear.gather [hbm4b:s18+s4], $0x80, $0x38;
	[tilespmem:$0x1E900] =	vst v63  }
0x8c: {  	_ =	swait.ge [sflag:s29], $0x4000  }
0x8d: {  	[sflag:s29] =	ssyncset.done $0x0  }
0x8e: {  	[sflag:s29] =	ssyncadd.s32 $0xFFFFC000  }
0x8f: {  	_ =	swait.ge [sflag:s30], $0x80  }
0x90: {  	[sflag:s30] =	ssyncset.done $0x0  }
0x91: {  	[sflag:s30] =	ssyncadd.s32 $0xFFFFFF80  }
0x92: {  	[tilespmem:s20], [sflag:$0x1] =	stream.indirect.gather [hbm4b:s6+s23], $0x80, s25, s23, $0xb8;
	[tilespmem:$0x1E900] =	vst v63  }
0x93: {  	s18 =	sand.u32 $0x7C00, s17;
	_ =	swait.ge [sflag:s31], $0x4000  }
0x94: {  	s17 =	sand.u32 $0x380, s17;
	s18 =	sadd.s32 s5, s18;
	[sflag:s31] =	ssyncset.done $0x0  }
0x95: {  	s17 =	sor.u32 s17, s18;
	[sflag:s31] =	ssyncadd.s32 $0xFFFFC000  }
0x96: {  	[spmem:s3] =	stream.indirect.scatter.add.f32 [tilespmem:s22], [sflag:$0x4], $0x80, s14, s23, $0xb8;
	[tilespmem:$0x1E900] =	vst v63  }
.Ltmp2:
0x97: {  	_ = 	snop;
	(pc) =	sbr.rel @p0 .LBB2_6-.Ltmp2, $4  }
0x98: {  	s17 =	sshrl.u32 s17, $0x3  }
0x99: {  	s17 =	sadd.s32 s2, s17  }
0x9a: {  	[tilespmem:s26], [sflag:$0x6] =	stream.linear.gather [hbm4b:s17+s4], $0x80, $0x38;
	[tilespmem:$0x1E900] =	vst v63  }
0x9b: {  	_ =	swait.ge [sflag:s24], $0x4000  }
0x9c: {  	[sflag:s24] =	ssyncset.done $0x0  }
0x9d: {  	[sflag:s24] =	ssyncadd.s32 $0xFFFFC000  }
0x9e: {  	_ =	swait.ge [sflag:s1], $0x80  }
0x9f: {  	[sflag:s1] =	ssyncset.done $0x0  }
0xa0: {  	[sflag:s1] =	ssyncadd.s32 $0xFFFFFF80  }
0xa1: {  	[tilespmem:s22], [sflag:$0x2] =	stream.indirect.gather [hbm4b:s6+s23], $0x80, s26, s23, $0xb8;
	[tilespmem:$0x1E900] =	vst v63  }
0xa2: {  	_ =	swait.ge [sflag:s28], $0x4000  }
0xa3: {  	[sflag:s28] =	ssyncset.done $0x0  }
0xa4: {  	s14 =	simm.s32 $0x2700;
	[sflag:s28] =	ssyncadd.s32 $0xFFFFC000  }
0xa5: {  	[spmem:s3] =	stream.indirect.scatter.add.f32 [tilespmem:s20], [sflag:$0x3], $0x80, s14, s23, $0xb8;
	[tilespmem:$0x1E900] =	vst v63  }
0xa6: {  	_ =	swait.ge [sflag:s29], $0x4000  }
0xa7: {  	[sflag:s29] =	ssyncset.done $0x0  }
0xa8: {  	[sflag:s29] =	ssyncadd.s32 $0xFFFFC000  }
0xa9: {  	_ =	swait.ge [sflag:s31], $0x4000  }
0xaa: {  	[sflag:s31] =	ssyncset.done $0x0  }
0xab: {  	s17 =	simm.s32 $0x2780;
	[sflag:s31] =	ssyncadd.s32 $0xFFFFC000  }
0xac: {  	[spmem:s3] =	stream.indirect.scatter.add.f32 [tilespmem:s22], [sflag:$0x4], $0x80, s17, s23, $0xb8;
	[tilespmem:$0x1E900] =	vst v63  }
0xad: {  	_ =	swait.ge [sflag:s24], $0x4000  }
0xae: {  	[sflag:s24] =	ssyncset.done $0x0  }
0xaf: {  	[sflag:s24] =	ssyncadd.s32 $0xFFFFC000  }
0xb0: {  	[bflag:$0x0] =	sbarrier.arrive $0xFFFF  }
0xb1: {  	s18 =	rddreg [dreg:$0x9]  }
0xb2: {  	[hbm:s18], [sflag:s7] =	dma.local [spmem:s8], $0x2800  }
0xb3: {  	_ =	swait.ge [sflag:s21], $0x2800  }
0xb4: {  	s0 =	sadd.s32 $0x1, s0;
	s19 =	rddreg [dreg:$0xa]  }
0xb5: {  	p0 =	sne.s32 s0, s19  }
.Ltmp3:
0xb6: {  	_ = 	snop;
	(pc) =	sbr.rel @p0 .LBB2_1-.Ltmp3, $3  }
0xb7: {  	_ =	sdelay $0x1  }
0xb8: {  	[sflag:s21] =	ssyncset.done $0x0  }
0xb9: {  	[sflag:s21] =	ssyncadd.s32 $0xFFFFD800  }
0xba: {  	_ =	sfence.sel $0x180000  }
0xbb: {  	[bflag:$0x0] =	sbarrier.arrive $0xFFFF  }
0xbc: {  	_ =	strace $0x90000047  }
0xbd: {  	s0 =	stileid.u32;
	[bflag:$0x2] =	sbarrier.arrive $0xFFFF  }
0xbe: {  	p0 =	sne.s32 s0, $0x0;
	s0 =	rddreg [dreg:$0x3]  }
0xbf: {  	s0 =	sadd.s32 @!p0 $0x100000, s0  }
0xc0: {  	[sflag:s0] =	ssyncadd.tile.s32 @!p0 $0x1;
	_ =	shalt  }
.Lfunc_end2:
_tile_overlayer_lowered:
.L_overlay_start_2:
0xc1: {  	(tag) =	ssettag $0x2  }
0xc2: {  	s0 =	rddreg [dreg:$0x0];
	s2 =	stileid.u32  }
0xc3: {  	s1 =	rddreg [dreg:$0x1];
	p0 =	sne.s32 s2, $0x0  }
0xc4: {  	s3 =	rddreg [dreg:$0x2];
	[bflag:$0x3] =	sbarrier.arrive $0xFFFF;
	s2 =	simm.s32 @!p0 $0x1C07  }
0xc5: {  	[timem:s3], [sflag:s2] =	dma.local @!p0 [hbm:s0], s1  }
0xc6: {  	s0 =	simm.s32 @!p0 $0x7  }
0xc7: {  	_ =	swait.ge @!p0 [sflag:s0], s1  }
0xc8: {  	s1 =	ssub.s32 @!p0 $0x0, s1;
	[sflag:s0] =	ssyncset.done @!p0 $0x0  }
0xc9: {  	[sflag:s0] =	ssyncadd.s32 @!p0 s1  }
0xca: {  	[bflag:$0x3] =	sbarrier.arrive $0xFFFF  }
0xcb: {  	_ =	shalt  }

// kernel: kernel.9.cloned.1.call-start
scs
__scs_entry_jumppad:
0x0: {  	(pc) =	sbr.rel $0x88, $3  }
0x1: {  	(tag) =	ssettag $0x0;
	lr =	simm.s32 $0x1  }
0x2: {  	[smem:$0x3F99] =	sst lr;
	_ =	strace $0xD0000000  }
0x3: {  	_ = 	snop  }
0x4: {  	_ = 	snop  }
0x5: {  	_ = 	snop  }
0x6: {  	_ = 	snop  }
0x7: {  	_ = 	snop  }
__scs_overlays_trampoline_lowered:
0x8: {  	[smem:$0x3FA8] =	sst s0  }
0x9: {  	[smem:$0x3FA9] =	sst s1  }
0xa: {  	[smem:$0x3FAA] =	sst s2  }
0xb: {  	[smem:$0x3FAB] =	sst s3  }
0xc: {  	[smem:$0x3FAC] =	sst s4  }
0xd: {  	[smem:$0x3FAD] =	sst s5  }
0xe: {  	[smem:$0x3FAE] =	sst s6  }
0xf: {  	[smem:$0x3FAF] =	sst s7  }
0x10: {  	[smem:$0x3FB0] =	sst s8  }
0x11: {  	[smem:$0x3FB1] =	sst s9;
	s0 =	simm.s32 @!p0 $0x0  }
0x12: {  	s1 =	sld [smem:$0x3F97];
	s0 =	simm.s32 @p0 $0x1  }
0x13: {  	[smem:$0x3FB2] =	sst s0;
	s0 =	simm.s32 @!p1 $0x0  }
0x14: {  	s2 =	sld [smem:$0x3F96];
	s0 =	simm.s32 @p1 $0x1  }
0x15: {  	[smem:$0x3FB3] =	sst s0;
	s0 =	simm.s32 @!p2 $0x0  }
0x16: {  	s3 =	sld [smem:$0x3FDB];
	s0 =	simm.s32 @p2 $0x1  }
0x17: {  	s4 =	simm.s32 $0x1BF5;
	[smem:$0x3FB5] =	sst s0  }
0x18: {  	s0 =	sld [smem:$0x3F98];
	_ =	swait.ge [sflag:s4], $0x0  }
0x19: {  	s7 =	sld [smem:$0x3F99]  }
0x1a: {  	s8 =	sadd.s32 $0xFFFFE003, lr  }
0x1b: {  	s9 =	sadd.s32 $0xFFFFFEF7, lr;
	s5 =	simm.s32 $0xFFFFFFFF;
	p2 =	slt.u32 s8, $0xFFFFF086  }
0x1c: {  	p1 =	slt.u32 s9, $0xF7A;
	s5 =	simm.s32 @!p2 $0x0  }
0x1d: {  	s5 =	simm.s32 @p1 $0x1;
	p0 =	seq.s32 s7, s2  }
0x1e: {  	s7 =	smul.u32 @!p0 $0xF7A, s2;
	p2 =	seq.s32 @!p0 s5, $0x0  }
0x1f: {  	s9 =	smul.u32 $0xF7A, s1;
	s8 =	simm.s32 @!p0 $0x1BF5;
	p2 =	por !p2, p0  }
0x20: {  	[sflag:s8] =	ssyncset.s32 @!p0 $0xFFFFF086;
	s6 =	sadd.s32 @!p0 s3, s7;
	s7 =	simm.s32 @!p0 $0x108  }
0x21: {  	s3 =	sadd.s32 s3, s9;
	s6 =	sadd.s32 @!p0 $0x88, s6;
	s7 =	simm.s32 @p2 $0x1082  }
0x22: {  	[simem:s7], [sflag:s8] =	dma.local @!p0 [hbm:s6], $0xF7A  }
0x23: {  	s9 =	sor.u32 $0xD0000000, s2;
	s6 =	simm.s32 $0x108;
	_ =	swait.ge @!p0 [sflag:s8], $0x0  }
0x24: {  	s3 =	sadd.s32 $0x88, s3;
	s6 =	simm.s32 @!p1 $0x1082;
	[sflag:s4] =	ssyncset.s32 $0xFFFFF086  }
0x25: {  	[simem:s6], [sflag:s4] =	dma.local [hbm:s3], $0xF7A  }
0x26: {  	[smem:$0x3F99] =	sst s1;
	(tag) =	ssettag s2;
	_ =	strace s9  }
0x27: {  	s1 =	sld [smem:$0x3FA9]  }
0x28: {  	s2 =	sld [smem:$0x3FAA]  }
0x29: {  	s4 =	sld [smem:$0x3FAC]  }
0x2a: {  	p0 =	seq.s32 s5, $0x0;
	s5 =	sld [smem:$0x3FAD]  }
0x2b: {  	s6 =	sld [smem:$0x3FAE]  }
0x2c: {  	s7 =	sld [smem:$0x3FAF]  }
0x2d: {  	s3 =	simm.s32 $0x108;
	s8 =	sld [smem:$0x3FB0]  }
0x2e: {  	s3 =	simm.s32 @!p0 $0x1082;
	s9 =	sld [smem:$0x3FB1]  }
0x2f: {  	lr =	sadd.s32 s0, s3;
	s0 =	sld [smem:$0x3FA8]  }
0x30: {  	s3 =	sld [smem:$0x3FAB]  }
0x31: {  	[smem:$0x3FB4] =	sst s10  }
0x32: {  	s10 =	sld [smem:$0x3FB2];
	_ =	sdelay $0x3  }
0x33: {  	p0 =	seq.s32 s10, $0x1;
	s10 =	sld [smem:$0x3FB4];
	_ =	sdelay $0x3  }
0x34: {  	[smem:$0x3FB4] =	sst s10  }
0x35: {  	s10 =	sld [smem:$0x3FB3];
	_ =	sdelay $0x3  }
0x36: {  	p1 =	seq.s32 s10, $0x1;
	s10 =	sld [smem:$0x3FB4];
	_ =	sdelay $0x3  }
0x37: {  	[smem:$0x3FB4] =	sst s10  }
0x38: {  	s10 =	sld [smem:$0x3FB5]  }
0x39: {  	_ = 	snop;
	(pc) =	sbr.ind lr, $3  }
0x3a: {  	_ = 	snop  }
0x3b: {  	_ = 	snop  }
0x3c: {  	p2 =	seq.s32 s10, $0x1;
	s10 =	sld [smem:$0x3FB4]  }
0x3d: {  	_ =	shalt  }
0x3e: {  	_ =	shalt  }
0x3f: {  	_ =	shalt  }
0x40: {  	_ =	shalt  }
0x41: {  	_ =	shalt  }
0x42: {  	_ =	shalt  }
0x43: {  	_ =	shalt  }
0x44: {  	_ =	shalt  }
0x45: {  	_ =	shalt  }
0x46: {  	_ =	shalt  }
0x47: {  	_ =	shalt  }
0x48: {  	_ =	shalt  }
0x49: {  	_ =	shalt  }
0x4a: {  	_ =	shalt  }
0x4b: {  	_ =	shalt  }
0x4c: {  	_ =	shalt  }
0x4d: {  	_ =	shalt  }
0x4e: {  	_ =	shalt  }
0x4f: {  	_ =	shalt  }
0x50: {  	_ =	shalt  }
0x51: {  	_ =	shalt  }
0x52: {  	_ =	shalt  }
0x53: {  	_ =	shalt  }
0x54: {  	_ =	shalt  }
0x55: {  	_ =	shalt  }
0x56: {  	_ =	shalt  }
0x57: {  	_ =	shalt  }
0x58: {  	_ =	shalt  }
0x59: {  	_ =	shalt  }
0x5a: {  	_ =	shalt  }
0x5b: {  	_ =	shalt  }
0x5c: {  	_ =	shalt  }
0x5d: {  	_ =	shalt  }
0x5e: {  	_ =	shalt  }
0x5f: {  	_ =	shalt  }
0x60: {  	_ =	shalt  }
0x61: {  	_ =	shalt  }
0x62: {  	_ =	shalt  }
0x63: {  	_ =	shalt  }
0x64: {  	_ =	shalt  }
0x65: {  	_ =	shalt  }
0x66: {  	_ =	shalt  }
0x67: {  	_ =	shalt  }
0x68: {  	_ =	shalt  }
0x69: {  	_ =	shalt  }
0x6a: {  	_ =	shalt  }
0x6b: {  	_ =	shalt  }
0x6c: {  	_ =	shalt  }
0x6d: {  	_ =	shalt  }
0x6e: {  	_ =	shalt  }
0x6f: {  	_ =	shalt  }
0x70: {  	_ =	shalt  }
0x71: {  	_ =	shalt  }
0x72: {  	_ =	shalt  }
0x73: {  	_ =	shalt  }
0x74: {  	_ =	shalt  }
0x75: {  	_ =	shalt  }
0x76: {  	_ =	shalt  }
0x77: {  	_ =	shalt  }
0x78: {  	_ =	shalt  }
0x79: {  	_ =	shalt  }
0x7a: {  	_ =	shalt  }
0x7b: {  	_ =	shalt  }
0x7c: {  	_ =	shalt  }
0x7d: {  	_ =	shalt  }
0x7e: {  	_ =	shalt  }
0x7f: {  	_ =	shalt  }
0x80: {  	_ =	shalt  }
0x81: {  	_ =	shalt  }
0x82: {  	_ =	shalt  }
0x83: {  	_ =	shalt  }
0x84: {  	_ =	shalt  }
0x85: {  	_ =	shalt  }
0x86: {  	_ =	shalt  }
0x87: {  	_ =	shalt  }
.Lfunc_end0:
.L_simem_size_0:
called_computation.1_lowered:
.L_overlay_start_0:
0x88: {  	s2 =	sld [smem:$0x3FD9]  }
0x89: {  	s3 =	sld [smem:$0x3FFE];
	_ =	sdelay $0x1  }
0x8a: {  	s1 =	srdreg.scid  }
0x8b: {  	s0 =	sand.u32 $0x1, s1  }
0x8c: {  	s17 =	sshll.u32 s0, $0xA;
	s2 =	sadd.s32 s3, s2  }
0x8d: {  	s2 =	sadd.s32 s2, s17  }
0x8e: {  	[smem:$0x3FC0] =	sst s2  }
0x8f: {  	_ = 	snop  }
0x90: {  	s2 =	sld [smem:$0x3FD0];
	(tm) =	ssettm $0x1  }
0x91: {  	s18 =	sld [smem:$0x3FFB];
	_ =	sdelay $0x3  }
0x92: {  	_ =	strace s18  }
0x93: {  	s3 =	sld [smem:$0x3FFC];
	_ =	sdelay $0x3  }
0x94: {  	_ =	strace s3  }
0x95: {  	s3 =	sld [smem:$0x3FFD];
	_ =	sdelay $0x3  }
0x96: {  	_ =	strace s3  }
0x97: {  	_ =	strace $0x8FFFFFFF  }
0x98: {  	s19 =	sld [smem:$0x3FDB];
	_ =	sdelay $0x1  }
0x99: {  	s4 =	simm.s32 $_scs_section_size  }
0x9a: {  	s5 =	simm.s32 $_size__tile_overlayer_lowered;
	s6 =	simm.s32 $_tile_overlayer_lowered  }
0x9b: {  	s22 =	simm.s32 $0x1BFF;
	s21 =	sshll.u32 s6, $0x1;
	s3 =	sadd.s32 s4, s19  }
0x9c: {  	s7 =	simm.s32 $0x0;
	s20 =	sshll.u32 s5, $0x1;
	s5 =	sadd.s32 s21, s3  }
0x9d: {  	[timem:s7], [sflag:s22] =	dma.local [hbm:s5], s20  }
0x9e: {  	_ =	swait.ge [sflag:s22], s20  }
0x9f: {  	s4 =	ssub.s32 $0x0, s20;
	[sflag:s22] =	ssyncset.done $0x0  }
0xa0: {  	[sflag:s22] =	ssyncadd.s32 s4;
	_ =	sdelay $0x1  }
0xa1: {  	s23 =	simm.s32 $0x1B8B  }
0xa2: {  	_ =	swait.ge [sflag:s23], $0x1  }
0xa3: {  	[sflag:s23] =	ssyncset.done $0x0  }
0xa4: {  	s25 =	simm.s32 $0x1B8E;
	s24 =	sld [smem:$0x3FFE];
	[sflag:s23] =	ssyncadd.s32 $0xFFFFFFFF  }
0xa5: {  	s26 =	simm.s32 $execute0_lowered;
	[smem:$0x3FD2] =	sst s25  }
0xa6: {  	s5 =	sshll.u32 s26, $0x1;
	_ =	strace $0x80000049;
	[dreg:$0x1] =	wrdreg $0xFFFFFFFF  }
0xa7: {  	s28 =	simm.s32 $_size_execute0_lowered;
	s3 =	sadd.s32 s3, s5;
	[dreg:$0x0] =	wrdreg $0x0  }
0xa8: {  	s5 =	sshll.u32 s28, $0x1;
	[dreg:$0x2] =	wrdreg s3  }
0xa9: {  	[dreg:$0x3] =	wrdreg s5  }
0xaa: {  	[dreg:$0x4] =	wrdreg $0xC0  }
0xab: {  	_ =	task [dreg:s7], $0x5FFFF  }
0xac: {  	[dreg:$0x1] =	wrdreg $0xFFFFFFFF  }
0xad: {  	[dreg:$0x0] =	wrdreg $0x60  }
0xae: {  	[dreg:$0x2] =	wrdreg s24  }
0xaf: {  	[dreg:$0x3] =	wrdreg s2  }
0xb0: {  	[dreg:$0x4] =	wrdreg $0xA9000  }
0xb1: {  	[dreg:$0x5] =	wrdreg $0x9  }
0xb2: {  	_ =	task.clear_ibuf [dreg:s7], $0x6FFFF;
	_ =	strace $0x90000049  }
0xb3: {  	s29 =	simm.s32 $0x9;
	_ =	strace $0x8000004B  }
0xb4: {  	_ =	swait.ge [sflag:s29], $0x1  }
0xb5: {  	[sflag:s29] =	ssyncadd.s32 $0xFFFFFFFF  }
0xb6: {  	_ =	strace $0x9000004B  }
0xb7: {  	_ =	sfence  }
0xb8: {  	s30 =	sld [smem:$0x0];
	_ =	sdelay $0x2  }
0xb9: {  	s31 =	sshll.u32 s1, $0xD;
	s1 =	sshrl.u32 s1, $0x2  }
0xba: {  	s3 =	sand.u32 $0x4000, s31;
	s1 =	sadd.s32 s1, s30  }
0xbb: {  	s0 =	sor.u32 s3, s0;
	s1 =	sshll.u32 s1, $0x11  }
0xbc: {  	s0 =	sor.u32 s1, s0  }
0xbd: {  	s0 =	sadd.s32 $0x8F2B, s0  }
0xbe: {  	[sflag:s0] =	ssyncadd.remote.s32 $0x1  }
0xbf: {  	_ =	sfence.sel $0xFFFF  }
0xc0: {  	[dreg:$0x0] =	wrdreg $0xFFFFFFFF;
	(pc) =	sbr.abs _section_cstart, $3  }
0xc1: {  	[dreg:$0x1] =	wrdreg $0xFFFFFFFF  }
0xc2: {  	_ =	task.clear_ibuf [dreg:s7], $0x2FFFF;
	_ =	strace $0x9FFFFFFF  }
0xc3: {  	(tm) =	ssettm $0x7FFFFFFF  }
tec
execute0_lowered:
.L_overlay_start_1:
0x0: {  	(tag) =	ssettag $0x1  }
0x1: {  	s0 =	srdreg.scid;
	s1 =	rddreg [dreg:$0x0]  }
0x2: {  	s2 =	rddreg [dreg:$0x1];
	s7 =	stileid.u32  }
0x3: {  	s3 =	rddreg [dreg:$0x2];
	s18 =	simm.s32 $0x2900;
	s19 =	simm.s32 $0x7  }
0x4: {  	s20 =	simm.s32 $0x2800;
	s21 =	simm.s32 $0x2880;
	s22 =	simm.s32 $0x6900  }
0x5: {  	s23 =	simm.s32 $0x1;
	s28 =	simm.s32 $0x2;
	s29 =	simm.s32 $0x4  }
0x6: {  	s30 =	simm.s32 $0x6;
	s0 =	sand.u32 $0x1, s0;
	s9 =	smul.u32 $0x14000, s7  }
0x7: {  	s6 =	sadd.s32 $0xC800, s1;
	s10 =	smul.u32 $0x50000, s7;
	s24 =	sadd.s32 $0x34800, s1  }
0x8: {  	s4 =	sshll.u32 s0, $0x4;
	s8 =	smul.u32 $0x140000, s0;
	s0 =	ssub.s32 $0x2, s0  }
0x9: {  	s5 =	sor.u32 s7, s4;
	s4 =	simm.s32 $0x0;
	s25 =	sshrl.u32 s0, $0x1  }
0xa: {  	s10 =	sshrl.u32 s10, $0x2;
	s5 =	smul.u32 $0x2800, s5;
	[smem:$0x7FF] =	sst s4  }
0xb: {  	s8 =	sadd.s32 s9, s8;
	s0 =	ssub.s32 s0, s25;
	s25 =	simm.s32 $0x3  }
0xc: {  	_ =	strace $0x8000004A;
	[dreg:$0x4] =	wrdreg s24;
	s8 =	sshrl.u32 s8, $0x3  }
0xd: {  	s17 =	smax.u32 s0, $0x1;
	s24 =	simm.s32 $0x80;
	s14 =	sshrl.u32 s5, $0x3  }
0xe: {  	s13 =	sadd.s32 s14, s1;
	s1 =	sadd.s32 s8, s1;
	s8 =	sadd.s32 s10, s3  }
0xf: {  	s0 =	simm.s32 $0x0;
	s14 =	sadd.s32 s2, s14;
	s26 =	sadd.s32 $0x4000, s8  }
0x10: {  	s31 =	sadd.s32 $0x8000, s8;
	s11 =	sadd.s32 $0xC000, s8;
	s12 =	sadd.s32 $0x10000, s8  }
0x11: {  	s13 =	sadd.s32 $0x2800, s13;
	s15 =	sadd.s32 $0x10, s14;
	[dreg:$0x5] =	wrdreg s26  }
0x12: {  	s16 =	sadd.s32 $0x35000, s1;
	[dreg:$0x6] =	wrdreg s31;
	s26 =	simm.s32 $0x5  }
.LBB2_1:
0x13: {  	s1 =	rddreg [dreg:$0x4]  }
0x14: {  	[tilespmem:s18], [sflag:$0x7] =	stream.linear.gather [hbm4b:s1+s4], $0x4000, $0x38;
	[tilespmem:$0x1E900] =	vst v63  }
0x15: {  	_ =	swait.ge [sflag:s19], $0x4000  }
0x16: {  	[sflag:s19] =	ssyncset.done $0x0  }
0x17: {  	[sflag:s19] =	ssyncadd.s32 $0xFFFFC000  }
0x18: {  	[spmem:s8] =	stream.linear.scatter [tilespmem:s18], [sflag:$0x7], $0x4000, $0x38;
	[tilespmem:$0x1E900] =	vst v63  }
0x19: {  	_ =	swait.ge [sflag:s19], $0x4000  }
0x1a: {  	[sflag:s19] =	ssyncset.done $0x0  }
0x1b: {  	s10 =	rddreg [dreg:$0x5];
	[sflag:s19] =	ssyncadd.s32 $0xFFFFC000  }
0x1c: {  	[spmem:s10] =	stream.linear.scatter [tilespmem:s18], [sflag:$0x7], $0x4000, $0x38;
	[tilespmem:$0x1E900] =	vst v63  }
0x1d: {  	_ =	swait.ge [sflag:s19], $0x4000  }
0x1e: {  	[sflag:s19] =	ssyncset.done $0x0  }
0x1f: {  	s7 =	rddreg [dreg:$0x6];
	[sflag:s19] =	ssyncadd.s32 $0xFFFFC000  }
0x20: {  	[spmem:s7] =	stream.linear.scatter [tilespmem:s18], [sflag:$0x7], $0x4000, $0x38;
	[tilespmem:$0x1E900] =	vst v63  }
0x21: {  	_ =	swait.ge [sflag:s19], $0x4000  }
0x22: {  	[sflag:s19] =	ssyncset.done $0x0  }
0x23: {  	[sflag:s19] =	ssyncadd.s32 $0xFFFFC000  }
0x24: {  	[spmem:s11] =	stream.linear.scatter [tilespmem:s18], [sflag:$0x7], $0x4000, $0x38;
	[tilespmem:$0x1E900] =	vst v63  }
0x25: {  	_ =	swait.ge [sflag:s19], $0x4000  }
0x26: {  	[sflag:s19] =	ssyncset.done $0x0  }
0x27: {  	[sflag:s19] =	ssyncadd.s32 $0xFFFFC000  }
0x28: {  	[spmem:s12] =	stream.linear.scatter [tilespmem:s18], [sflag:$0x7], $0x4000, $0x38;
	[tilespmem:$0x1E900] =	vst v63  }
0x29: {  	_ =	swait.ge [sflag:s19], $0x4000  }
0x2a: {  	[sflag:s19] =	ssyncset.done $0x0  }
0x2b: {  	[sflag:s19] =	ssyncadd.s32 $0xFFFFC000  }
0x2c: {  	[tilespmem:s4], [sflag:$0x7] =	stream.linear.gather [hbm4b:s13+s4], $0x2800, $0x38;
	[tilespmem:$0x1E900] =	vst v63  }
0x2d: {  	_ =	swait.ge [sflag:s19], $0x2800  }
0x2e: {  	[sflag:s19] =	ssyncset.done $0x0  }
0x2f: {  	[sflag:s19] =	ssyncadd.s32 $0xFFFFD800  }
0x30: {  	[bflag:$0x0] =	sbarrier.arrive $0xFFFF  }
0x31: {  	[tilespmem:s20], [sflag:$0x7] =	stream.linear.gather [hbm4b:s14+s4], $0x80, $0x38;
	[tilespmem:$0x1E900] =	vst v63  }
0x32: {  	_ =	swait.ge [sflag:s19], $0x80  }
0x33: {  	[sflag:s19] =	ssyncset.done $0x0  }
0x34: {  	[sflag:s19] =	ssyncadd.s32 $0xFFFFFF80  }
0x35: {  	[tilespmem:s18], [sflag:$0x1] =	stream.indirect.gather [hbm4b:s6+s24], $0x80, s20, s24, $0xb8;
	[tilespmem:$0x1E900] =	vst v63  }
0x36: {  	_ = 	snop  }
0x37: {  	[tilespmem:s21], [sflag:$0x7] =	stream.linear.gather [hbm4b:s15+s4], $0x80, $0x38;
	[tilespmem:$0x1E900] =	vst v63  }
0x38: {  	_ =	swait.ge [sflag:s19], $0x80  }
0x39: {  	s9 =	simm.s32 $0x100;
	[sflag:s19] =	ssyncset.done $0x0  }
0x3a: {  	s31 =	sand.u32 $0x7C00, s9;
	[sflag:s19] =	ssyncadd.s32 $0xFFFFFF80  }
0x3b: {  	[tilespmem:s22], [sflag:$0x2] =	stream.indirect.gather [hbm4b:s6+s24], $0x80, s21, s24, $0xb8;
	[tilespmem:$0x1E900] =	vst v63  }
0x3c: {  	s1 =	sand.u32 $0x300, s9;
	s31 =	sadd.s32 s5, s31;
	_ =	swait.ge [sflag:s23], $0x4000  }
0x3d: {  	s1 =	sor.u32 s1, s31;
	[sflag:s23] =	ssyncset.done $0x0  }
0x3e: {  	s31 =	simm.s32 $0x0;
	s1 =	sshrl.u32 s1, $0x3;
	[sflag:s23] =	ssyncadd.s32 $0xFFFFC000  }
0x3f: {  	[spmem:s3] =	stream.indirect.scatter.add.f32 [tilespmem:s18], [sflag:$0x3], $0x80, s31, s24, $0xb8;
	[tilespmem:$0x1E900] =	vst v63  }
0x40: {  	s1 =	sadd.s32 s2, s1  }
0x41: {  	[tilespmem:s20], [sflag:$0x5] =	stream.linear.gather [hbm4b:s1+s4], $0x80, $0x38;
	[tilespmem:$0x1E900] =	vst v63  }
0x42: {  	_ =	swait.ge [sflag:s25], $0x4000  }
0x43: {  	[sflag:s25] =	ssyncset.done $0x0  }
0x44: {  	[sflag:s25] =	ssyncadd.s32 $0xFFFFC000  }
0x45: {  	_ =	swait.ge [sflag:s26], $0x80  }
0x46: {  	s10 =	simm.s32 $0x180;
	[sflag:s26] =	ssyncset.done $0x0  }
0x47: {  	s31 =	sand.u32 $0x7C00, s10;
	[sflag:s26] =	ssyncadd.s32 $0xFFFFFF80  }
0x48: {  	[tilespmem:s18], [sflag:$0x1] =	stream.indirect.gather [hbm4b:s6+s24], $0x80, s20, s24, $0xb8;
	[tilespmem:$0x1E900] =	vst v63  }
0x49: {  	s31 =	sadd.s32 s5, s31;
	s1 =	sand.u32 $0x380, s10;
	_ =	swait.ge [sflag:s28], $0x4000  }
0x4a: {  	s1 =	sor.u32 s1, s31;
	[sflag:s28] =	ssyncset.done $0x0  }
0x4b: {  	s1 =	sshrl.u32 s1, $0x3;
	[sflag:s28] =	ssyncadd.s32 $0xFFFFC000  }
0x4c: {  	[spmem:s3] =	stream.indirect.scatter.add.f32 [tilespmem:s22], [sflag:$0x4], $0x80, s24, s24, $0xb8;
	[tilespmem:$0x1E900] =	vst v63  }
0x4d: {  	s1 =	sadd.s32 s2, s1  }
0x4e: {  	[tilespmem:s21], [sflag:$0x6] =	stream.linear.gather [hbm4b:s1+s4], $0x80, $0x38;
	[tilespmem:$0x1E900] =	vst v63  }
0x4f: {  	s31 =	simm.s32 $0x280;
	s1 =	simm.s32 $0x80;
	_ =	swait.ge [sflag:s29], $0x4000  }
.LBB2_2:
0x50: {  	p0 =	sne.s32 s31, $0x2780  }
0x51: {  	[sflag:s29] =	ssyncset.done $0x0;
	s1 =	sadd.s32 $0x100, s1;
	s7 =	smov.u32 s31  }
0x52: {  	s31 =	sadd.s32 $0x100, s31;
	s9 =	sadd.s32 $0xFFFFFF80, s7;
	[sflag:s29] =	ssyncadd.s32 $0xFFFFC000  }
0x53: {  	s10 =	sand.u32 $0x7C00, s9;
	_ =	swait.ge [sflag:s30], $0x80  }
0x54: {  	s9 =	sand.u32 $0x300, s9;
	s10 =	sadd.s32 s5, s10;
	[sflag:s30] =	ssyncset.done $0x0  }
0x55: {  	s9 =	sor.u32 s9, s10;
	[sflag:s30] =	ssyncadd.s32 $0xFFFFFF80  }
0x56: {  	[tilespmem:s22], [sflag:$0x2] =	stream.indirect.gather [hbm4b:s6+s24], $0x80, s21, s24, $0xb8;
	[tilespmem:$0x1E900] =	vst v63  }
0x57: {  	s9 =	sshrl.u32 s9, $0x3;
	_ =	swait.ge [sflag:s23], $0x4000  }
0x58: {  	[sflag:s23] =	ssyncset.done $0x0  }
0x59: {  	s10 =	sadd.s32 $0xFFFFFF80, s1;
	[sflag:s23] =	ssyncadd.s32 $0xFFFFC000  }
0x5a: {  	[spmem:s3] =	stream.indirect.scatter.add.f32 [tilespmem:s18], [sflag:$0x3], $0x80, s10, s24, $0xb8;
	[tilespmem:$0x1E900] =	vst v63  }
0x5b: {  	s9 =	sadd.s32 s2, s9  }
0x5c: {  	[tilespmem:s20], [sflag:$0x5] =	stream.linear.gather [hbm4b:s9+s4], $0x80, $0x38;
	[tilespmem:$0x1E900] =	vst v63  }
0x5d: {  	_ =	swait.ge [sflag:s25], $0x4000  }
0x5e: {  	[sflag:s25] =	ssyncset.done $0x0  }
0x5f: {  	[sflag:s25] =	ssyncadd.s32 $0xFFFFC000  }
0x60: {  	_ =	swait.ge [sflag:s26], $0x80  }
0x61: {  	[sflag:s26] =	ssyncset.done $0x0  }
0x62: {  	[sflag:s26] =	ssyncadd.s32 $0xFFFFFF80  }
0x63: {  	[tilespmem:s18], [sflag:$0x1] =	stream.indirect.gather [hbm4b:s6+s24], $0x80, s20, s24, $0xb8;
	[tilespmem:$0x1E900] =	vst v63  }
0x64: {  	s9 =	sand.u32 $0x7C00, s7;
	_ =	swait.ge [sflag:s28], $0x4000  }
0x65: {  	s7 =	sand.u32 $0x380, s7;
	s9 =	sadd.s32 s5, s9;
	[sflag:s28] =	ssyncset.done $0x0  }
0x66: {  	s7 =	sor.u32 s7, s9;
	[sflag:s28] =	ssyncadd.s32 $0xFFFFC000  }
0x67: {  	[spmem:s3] =	stream.indirect.scatter.add.f32 [tilespmem:s22], [sflag:$0x4], $0x80, s1, s24, $0xb8;
	[tilespmem:$0x1E900] =	vst v63  }
.Ltmp0:
0x68: {  	_ = 	snop;
	(pc) =	sbr.rel @p0 .LBB2_2-.Ltmp0, $4  }
0x69: {  	s7 =	sshrl.u32 s7, $0x3  }
0x6a: {  	s7 =	sadd.s32 s2, s7  }
0x6b: {  	[tilespmem:s21], [sflag:$0x6] =	stream.linear.gather [hbm4b:s7+s4], $0x80, $0x38;
	[tilespmem:$0x1E900] =	vst v63  }
0x6c: {  	_ =	swait.ge [sflag:s29], $0x4000  }
0x6d: {  	[sflag:s29] =	ssyncset.done $0x0  }
0x6e: {  	[sflag:s29] =	ssyncadd.s32 $0xFFFFC000  }
0x6f: {  	_ =	swait.ge [sflag:s30], $0x80  }
0x70: {  	[sflag:s30] =	ssyncset.done $0x0  }
0x71: {  	[sflag:s30] =	ssyncadd.s32 $0xFFFFFF80  }
0x72: {  	[tilespmem:s22], [sflag:$0x2] =	stream.indirect.gather [hbm4b:s6+s24], $0x80, s21, s24, $0xb8;
	[tilespmem:$0x1E900] =	vst v63  }
0x73: {  	_ =	swait.ge [sflag:s23], $0x4000  }
0x74: {  	[sflag:s23] =	ssyncset.done $0x0  }
0x75: {  	s1 =	simm.s32 $0x2700;
	[sflag:s23] =	ssyncadd.s32 $0xFFFFC000  }
0x76: {  	[spmem:s3] =	stream.indirect.scatter.add.f32 [tilespmem:s18], [sflag:$0x3], $0x80, s1, s24, $0xb8;
	[tilespmem:$0x1E900] =	vst v63  }
0x77: {  	_ =	swait.ge [sflag:s25], $0x4000  }
0x78: {  	[sflag:s25] =	ssyncset.done $0x0  }
0x79: {  	[sflag:s25] =	ssyncadd.s32 $0xFFFFC000  }
0x7a: {  	_ =	swait.ge [sflag:s28], $0x4000  }
0x7b: {  	[sflag:s28] =	ssyncset.done $0x0  }
0x7c: {  	s10 =	simm.s32 $0x2780;
	[sflag:s28] =	ssyncadd.s32 $0xFFFFC000  }
0x7d: {  	[spmem:s3] =	stream.indirect.scatter.add.f32 [tilespmem:s22], [sflag:$0x4], $0x80, s10, s24, $0xb8;
	[tilespmem:$0x1E900] =	vst v63  }
0x7e: {  	s31 =	stileid.u32;
	_ =	swait.ge [sflag:s29], $0x4000  }
0x7f: {  	s7 =	sshrl.u32 s8, $0x3;
	s0 =	sadd.s32 $0x1, s0;
	[sflag:s29] =	ssyncset.done $0x0  }
0x80: {  	p0 =	sne.s32 s0, s17;
	s1 =	sshll.u32 s31, $0x6;
	[sflag:s29] =	ssyncadd.s32 $0xFFFFC000  }
.Ltmp1:
0x81: {  	s1 =	sor.u32 $0x1C07, s1;
	[bflag:$0x0] =	sbarrier.arrive $0xFFFF;
	(pc) =	sbr.rel @p0 .LBB2_1-.Ltmp1, $4  }
0x82: {  	[hbm:s16], [sflag:s1] =	dma.local [spmem:s7], $0x2800  }
0x83: {  	_ =	swait.ge [sflag:s19], $0x2800  }
0x84: {  	[sflag:s19] =	ssyncset.done $0x0  }
0x85: {  	[sflag:s19] =	ssyncadd.s32 $0xFFFFD800  }
0x86: {  	_ =	sfence.sel $0x180000  }
0x87: {  	[bflag:$0x0] =	sbarrier.arrive $0xFFFF  }
0x88: {  	_ =	strace $0x9000004A  }
0x89: {  	s0 =	stileid.u32;
	[bflag:$0x2] =	sbarrier.arrive $0xFFFF  }
0x8a: {  	p0 =	sne.s32 s0, $0x0;
	s0 =	rddreg [dreg:$0x3]  }
0x8b: {  	s0 =	sadd.s32 @!p0 $0x100000, s0  }
0x8c: {  	[sflag:s0] =	ssyncadd.tile.s32 @!p0 $0x1;
	_ =	shalt  }
.Lfunc_end2:
_tile_overlayer_lowered:
.L_overlay_start_2:
0x8d: {  	(tag) =	ssettag $0x2  }
0x8e: {  	s0 =	rddreg [dreg:$0x0];
	s2 =	stileid.u32  }
0x8f: {  	s1 =	rddreg [dreg:$0x1];
	p0 =	sne.s32 s2, $0x0  }
0x90: {  	s3 =	rddreg [dreg:$0x2];
	[bflag:$0x3] =	sbarrier.arrive $0xFFFF;
	s2 =	simm.s32 @!p0 $0x1C07  }
0x91: {  	[timem:s3], [sflag:s2] =	dma.local @!p0 [hbm:s0], s1  }
0x92: {  	s0 =	simm.s32 @!p0 $0x7  }
0x93: {  	_ =	swait.ge @!p0 [sflag:s0], s1  }
0x94: {  	s1 =	ssub.s32 @!p0 $0x0, s1;
	[sflag:s0] =	ssyncset.done @!p0 $0x0  }
0x95: {  	[sflag:s0] =	ssyncadd.s32 @!p0 s1  }
0x96: {  	[bflag:$0x3] =	sbarrier.arrive $0xFFFF  }
0x97: {  	_ =	shalt  }

</sc_bundles>
